<compile_context>
chip_gen: v7x
topology: tpu7x:2x2x1
jax: 0.10.2.dev20260603
libtpu: 0.0.44.dev20260713+nightly
codegen_flags: <defaults>
</compile_context>

<pallas_src>
import jax
import jax.numpy as jnp
from jax import lax
from jax.experimental import pallas as pl
from jax.experimental.pallas import tpu as pltpu
from jax.experimental.pallas import tpu_sc as plsc

N = 10000
E = 160000
IN_DIM = 256
H2 = 128
OUT = 64
EPS = 0.1

N_PAD = 10240
ROWS_PER_TILE = N_PAD // 16
CHUNK = 128
N_TILES = 32
E_PER_TILE = 5120
N_CHUNKS = E_PER_TILE // CHUNK
E_PAD = E_PER_TILE * N_TILES

BR = 2048
NB = N_PAD // BR


def _prologue_body(x_ref, w_ref, b_ref, h_ref, init_ref):
    h = jax.nn.relu(
        jnp.dot(x_ref[...], w_ref[...], preferred_element_type=jnp.float32)
        + b_ref[0]
    )
    h_ref[...] = h
    init_ref[0] = EPS * h
    init_ref[1] = jnp.zeros_like(h)


def _prologue(x_pad, w, b2):
    return pl.pallas_call(
        _prologue_body,
        grid=(NB,),
        in_specs=[
            pl.BlockSpec((BR, IN_DIM), lambda r: (r, 0)),
            pl.BlockSpec((IN_DIM, H2), lambda r: (0, 0)),
            pl.BlockSpec((1, H2), lambda r: (0, 0)),
        ],
        out_specs=[
            pl.BlockSpec((BR, H2), lambda r: (r, 0)),
            pl.BlockSpec((2, BR, H2), lambda r: (0, r, 0)),
        ],
        out_shape=[
            jax.ShapeDtypeStruct((N_PAD, H2), jnp.float32),
            jax.ShapeDtypeStruct((2, N_PAD, H2), jnp.float32),
        ],
    )(x_pad, w, b2)


NBUF = 2


def _layer_body(table, init, gidx, sidx, out, gidx_v, sidx_v, rows_v, acc,
                sem0, sem1):
    c = lax.axis_index("c")
    s = lax.axis_index("s")
    base = s * ROWS_PER_TILE
    sems = (sem0, sem1)
    pltpu.sync_copy(init.at[c, pl.ds(base, ROWS_PER_TILE)],
                    acc.at[pl.ds(base, ROWS_PER_TILE)])
    pltpu.sync_copy(gidx.at[c, s], gidx_v)
    pltpu.sync_copy(sidx.at[c, s], sidx_v)
    plsc.subcore_barrier()

    for b in range(NBUF):
        pltpu.async_copy(table.at[gidx_v.at[b]], rows_v.at[b], sems[b])

    def group(g, carry):
        j0 = g * NBUF
        for b in range(NBUF):
            j = j0 + b
            pltpu.make_async_copy(table.at[gidx_v.at[j]], rows_v.at[b],
                                  sems[b]).wait()
            pltpu.sync_copy(rows_v.at[b], acc.at[sidx_v.at[j]], add=True)
            pltpu.async_copy(table.at[gidx_v.at[j + NBUF]], rows_v.at[b],
                             sems[b])
        return carry

    lax.fori_loop(0, N_CHUNKS // NBUF - 1, group, 0)
    for b in range(NBUF):
        j = N_CHUNKS - NBUF + b
        pltpu.make_async_copy(table.at[gidx_v.at[j]], rows_v.at[b],
                              sems[b]).wait()
        pltpu.sync_copy(rows_v.at[b], acc.at[sidx_v.at[j]], add=True)

    plsc.subcore_barrier()
    pltpu.sync_copy(acc.at[pl.ds(base, ROWS_PER_TILE)],
                    out.at[c, pl.ds(base, ROWS_PER_TILE)])


def _make_layer():
    return pl.kernel(
        _layer_body,
        out_type=jax.ShapeDtypeStruct((2, N_PAD, H2), jnp.float32),
        mesh=plsc.VectorSubcoreMesh(core_axis_name="c", subcore_axis_name="s"),
        scratch_types=[
            pltpu.VMEM((N_CHUNKS, CHUNK), jnp.int32),
            pltpu.VMEM((N_CHUNKS, CHUNK), jnp.int32),
            pltpu.VMEM((NBUF, CHUNK, H2), jnp.float32),
            pltpu.VMEM_SHARED((N_PAD, H2), jnp.float32),
            pltpu.SemaphoreType.DMA,
            pltpu.SemaphoreType.DMA,
        ],
    )


def _combine_body(p_ref, o_ref):
    o_ref[...] = p_ref[0] + p_ref[1]


def _combine(p):
    return pl.pallas_call(
        _combine_body,
        grid=(NB,),
        in_specs=[pl.BlockSpec((2, BR, H2), lambda r: (0, r, 0))],
        out_specs=pl.BlockSpec((BR, H2), lambda r: (r, 0)),
        out_shape=jax.ShapeDtypeStruct((N_PAD, H2), jnp.float32),
    )(p)


def _final_body(p_ref, w_ref, b_ref, o_ref):
    h = p_ref[0] + p_ref[1]
    logits = (
        jnp.dot(h, w_ref[...], preferred_element_type=jnp.float32) + b_ref[0]
    )
    m = jnp.max(logits, axis=1, keepdims=True)
    lse = jnp.log(jnp.sum(jnp.exp(logits - m), axis=1, keepdims=True)) + m
    o_ref[...] = logits - lse


def _final(p, w, b):
    return pl.pallas_call(
        _final_body,
        grid=(NB,),
        in_specs=[
            pl.BlockSpec((2, BR, H2), lambda r: (0, r, 0)),
            pl.BlockSpec((H2, OUT), lambda r: (0, 0)),
            pl.BlockSpec((1, OUT), lambda r: (0, 0)),
        ],
        out_specs=pl.BlockSpec((BR, OUT), lambda r: (r, 0)),
        out_shape=jax.ShapeDtypeStruct((N_PAD, OUT), jnp.float32),
    )(p, w, b)


def kernel(x, edge_index, re_fc_w, re_fc_b, ir_fc_w, ir_fc_b, gate_w, gate_b,
           cla_w, cla_b):
    row = edge_index[0]
    col = edge_index[1]
    pad = E_PAD - E
    rowp = jnp.concatenate([row, jnp.zeros((pad,), jnp.int32)])
    colp = jnp.concatenate([col, jnp.full((pad,), N, jnp.int32)])
    gidx = rowp.reshape(2, 16, N_CHUNKS, CHUNK)
    sidx = colp.reshape(2, 16, N_CHUNKS, CHUNK)

    x_pad = jnp.pad(x, ((0, N_PAD - N), (0, 0)))
    h0, init = _prologue(x_pad, re_fc_w, re_fc_b.reshape(1, H2))

    layer = _make_layer()
    p = layer(h0, init, gidx, sidx)
    t = _combine(p)
    p = layer(t, init, gidx, sidx)

    out = _final(p, cla_w, cla_b.reshape(1, OUT))
    return out[:N]

# --- scband reference (transcript-rebuilt; emitter-appended) ---
"""Pipeline reference for scband-esgnn-86148454023754 (READ-ONLY COPY).

The authoritative reference and input builder live on the scoring server;
editing this copy changes nothing except your own understanding.
"""

import jax, jax.numpy as jnp
import numpy as np

N = 10000
E = 160000
IN_DIM = 256
HID = 256
H2 = HID // 2
OUT = 64
RE_EPS = 0.1
IR_EPS = 0.1
LAYER_NUM = 2
ITER_LOWPASS = 1


def setup_inputs(seed: int = 0):
    key = jax.random.key(seed)
    ks = jax.random.split(key, 8)
    x = jax.random.normal(ks[0], (N, IN_DIM), dtype=jnp.float32)
    edge_index = jax.random.randint(ks[1], (2, E), 0, N, dtype=jnp.int32)
    re_fc_w = jax.random.normal(ks[2], (IN_DIM, H2), dtype=jnp.float32) * (1.0 / np.sqrt(IN_DIM))
    re_fc_b = jnp.zeros((H2,), dtype=jnp.float32)
    ir_fc_w = jax.random.normal(ks[3], (IN_DIM, H2), dtype=jnp.float32) * (1.0 / np.sqrt(IN_DIM))
    ir_fc_b = jnp.zeros((H2,), dtype=jnp.float32)
    gate_w = jax.random.normal(ks[4], (LAYER_NUM, 2 * HID, 1), dtype=jnp.float32) * (1.0 / np.sqrt(2 * HID))
    gate_b = jnp.zeros((LAYER_NUM, 1), dtype=jnp.float32)
    cla_w = jax.random.normal(ks[5], (H2, OUT), dtype=jnp.float32) * (1.0 / np.sqrt(H2))
    cla_b = jnp.zeros((OUT,), dtype=jnp.float32)
    return {"x": x, "edge_index": edge_index, "re_fc_w": re_fc_w, "re_fc_b": re_fc_b,
            "ir_fc_w": ir_fc_w, "ir_fc_b": ir_fc_b, "gate_w": gate_w, "gate_b": gate_b,
            "cla_w": cla_w, "cla_b": cla_b}


def reference(x, edge_index, re_fc_w, re_fc_b, ir_fc_w, ir_fc_b, gate_w, gate_b, cla_w, cla_b):
    # eval-mode forward (dropout = identity, returns re-branch log-softmax)
    row = edge_index[0]
    col = edge_index[1]
    re_h = jax.nn.relu(x @ re_fc_w + re_fc_b)
    ir_h = jax.nn.relu(x @ ir_fc_w + ir_fc_b)
    re_raw = re_h
    ir_raw = ir_h
    for l in range(LAYER_NUM):
        # edge_disentangling: gate over concatenated endpoint features
        h = jnp.concatenate([re_h, ir_h], axis=1)
        z = jnp.concatenate([h[col], h[row]], axis=1)
        sub_scores = jnp.tanh(z @ gate_w[l] + gate_b[l])
        re_s = (1.0 + sub_scores) / 2.0
        ir_s = (1.0 - sub_scores) / 2.0
        # norm_disentangling (computed but unused by the default PyG message)
        deg = jnp.bincount(col, length=N).astype(jnp.float32)
        norm = jnp.where(deg > 0, deg ** -0.5, 0.0)
        # propagate with aggr='add' and default message(x_j) = x[row] scattered to col
        for _ in range(ITER_LOWPASS):
            re_h = jax.ops.segment_sum(re_h[row], col, num_segments=N)
            ir_h = jax.ops.segment_sum(ir_h[row], col, num_segments=N)
        re_h = RE_EPS * re_raw + re_h
        ir_h = IR_EPS * ir_raw + ir_h
    re_logits = re_h @ cla_w + cla_b
    return jax.nn.log_softmax(re_logits, axis=1)

if __name__ == "__main__":
    import jax
    _d = setup_inputs()
    print(jax.jit(kernel)(*tuple(_d.values())))

</pallas_src>

<mosaic_0001>
#map = affine_map<(d0, d1) -> (0, 0)>
#map1 = affine_map<(d0, d1) -> (0, 0, 0)>
#map2 = affine_map<(d0, d1) -> (0, 0, 0, 0)>
module attributes {stable_mosaic.version = 14 : i64} {
  func.func @_layer_body(%arg0: i32, %arg1: i32, %arg2: memref<10240x128xf32, #tpu.memory_space<hbm>>, %arg3: memref<2x10240x128xf32, #tpu.memory_space<hbm>>, %arg4: memref<2x16x40x128xi32, #tpu.memory_space<hbm>>, %arg5: memref<2x16x40x128xi32, #tpu.memory_space<hbm>>, %arg6: memref<2x10240x128xf32, #tpu.memory_space<hbm>>, %arg7: memref<40x128xi32, #tpu.memory_space<vmem>>, %arg8: memref<40x128xi32, #tpu.memory_space<vmem>>, %arg9: memref<2x128x128xf32, #tpu.memory_space<vmem>>, %arg10: memref<10240x128xf32, #tpu.memory_space<vmem_shared>>, %arg11: memref<!tpu.dma_semaphore, #tpu.memory_space<semaphore_mem>>, %arg12: memref<!tpu.dma_semaphore, #tpu.memory_space<semaphore_mem>>) attributes {dimension_semantics = [#tpu.dimension_semantics<core_parallel>, #tpu.dimension_semantics<subcore_parallel>], iteration_bounds = array<i64: 2, 16>, scalar_prefetch = 0 : i64, scratch_operands = 6 : i64, tpu.core_type = #tpu.core_type<sc_vector_subcore>, window_params = [{transform_indices = #map}, {transform_indices = #map1}, {transform_indices = #map2}, {transform_indices = #map2}, {transform_indices = #map1}]} {
    %mul3A = arith.constant 640 : i32
    %mul3A_0 = arith.muli %arg1, %mul3A : i32
    "tpu.region"() ({
      %run_scoped3A_56 = tpu.sem_alloc : memref<!tpu.dma_semaphore, #tpu.memory_space<semaphore_mem>>
      %dma_start3A_57 = arith.constant 0 : i32
      %dma_start3A_58 = tpu.memref_slice %arg10[%mul3A_0, %dma_start3A_57] : memref<10240x128xf32, #tpu.memory_space<vmem_shared>> -> memref<640x128xf32, #tpu.memory_space<vmem_shared>>
      %dma_start3A_59 = arith.constant 0 : i32
      %dma_start3A_60 = tpu.memref_slice %arg3[%arg0, %mul3A_0, %dma_start3A_59] : memref<2x10240x128xf32, #tpu.memory_space<hbm>> -> memref<1x640x128xf32, #tpu.memory_space<hbm>>
      %dma_start3A_61 = tpu.memref_squeeze %dma_start3A_60 : memref<1x640x128xf32, #tpu.memory_space<hbm>> -> memref<640x128xf32, #tpu.memory_space<hbm>>
      tpu.enqueue_dma source(%dma_start3A_61 : memref<640x128xf32, #tpu.memory_space<hbm>>) target(%dma_start3A_58 : memref<640x128xf32, #tpu.memory_space<vmem_shared>>) target_semaphore(%run_scoped3A_56 : memref<!tpu.dma_semaphore, #tpu.memory_space<semaphore_mem>>)
      %dma_wait3A_62 = arith.constant 0 : i32
      %dma_wait3A_63 = tpu.memref_slice %arg10[%mul3A_0, %dma_wait3A_62] : memref<10240x128xf32, #tpu.memory_space<vmem_shared>> -> memref<640x128xf32, #tpu.memory_space<vmem_shared>>
      %dma_wait3A_64 = arith.constant 0 : i32
      %dma_wait3A_65 = tpu.memref_slice %arg3[%arg0, %mul3A_0, %dma_wait3A_64] : memref<2x10240x128xf32, #tpu.memory_space<hbm>> -> memref<1x640x128xf32, #tpu.memory_space<hbm>>
      %dma_wait3A_66 = tpu.memref_squeeze %dma_wait3A_65 : memref<1x640x128xf32, #tpu.memory_space<hbm>> -> memref<640x128xf32, #tpu.memory_space<hbm>>
      tpu.wait_dma2 semaphore(%run_scoped3A_56 : memref<!tpu.dma_semaphore, #tpu.memory_space<semaphore_mem>>) src(%dma_wait3A_66 : memref<640x128xf32, #tpu.memory_space<hbm>>) dst(%dma_wait3A_63 : memref<640x128xf32, #tpu.memory_space<vmem_shared>>)
      tpu.yield
    }) : () -> ()
    "tpu.region"() ({
      %run_scoped3A_56 = tpu.sem_alloc : memref<!tpu.dma_semaphore, #tpu.memory_space<semaphore_mem>>
      %dma_start3A_57 = arith.constant 0 : i32
      %dma_start3A_58 = arith.constant 0 : i32
      %dma_start3A_59 = tpu.memref_slice %arg4[%arg0, %arg1, %dma_start3A_57, %dma_start3A_58] : memref<2x16x40x128xi32, #tpu.memory_space<hbm>> -> memref<1x1x40x128xi32, #tpu.memory_space<hbm>>
      %dma_start3A_60 = tpu.memref_squeeze %dma_start3A_59 : memref<1x1x40x128xi32, #tpu.memory_space<hbm>> -> memref<40x128xi32, #tpu.memory_space<hbm>>
      %dma_start3A_61 = arith.constant 0 : i32
      %dma_start3A_62 = arith.constant 0 : i32
      %dma_start3A_63 = tpu.memref_slice %arg4[%arg0, %arg1, %dma_start3A_61, %dma_start3A_62] : memref<2x16x40x128xi32, #tpu.memory_space<hbm>> -> memref<1x1x40x128xi32, #tpu.memory_space<hbm>>
      %dma_start3A_64 = tpu.memref_squeeze %dma_start3A_63 : memref<1x1x40x128xi32, #tpu.memory_space<hbm>> -> memref<40x128xi32, #tpu.memory_space<hbm>>
      tpu.enqueue_dma source(%dma_start3A_64 : memref<40x128xi32, #tpu.memory_space<hbm>>) target(%arg7 : memref<40x128xi32, #tpu.memory_space<vmem>>) target_semaphore(%run_scoped3A_56 : memref<!tpu.dma_semaphore, #tpu.memory_space<semaphore_mem>>)
      %dma_wait3A_65 = arith.constant 0 : i32
      %dma_wait3A_66 = arith.constant 0 : i32
      %dma_wait3A_67 = tpu.memref_slice %arg4[%arg0, %arg1, %dma_wait3A_65, %dma_wait3A_66] : memref<2x16x40x128xi32, #tpu.memory_space<hbm>> -> memref<1x1x40x128xi32, #tpu.memory_space<hbm>>
      %dma_wait3A_68 = tpu.memref_squeeze %dma_wait3A_67 : memref<1x1x40x128xi32, #tpu.memory_space<hbm>> -> memref<40x128xi32, #tpu.memory_space<hbm>>
      %dma_wait3A_69 = arith.constant 0 : i32
      %dma_wait3A_70 = arith.constant 0 : i32
      %dma_wait3A_71 = tpu.memref_slice %arg4[%arg0, %arg1, %dma_wait3A_69, %dma_wait3A_70] : memref<2x16x40x128xi32, #tpu.memory_space<hbm>> -> memref<1x1x40x128xi32, #tpu.memory_space<hbm>>
      %dma_wait3A_72 = tpu.memref_squeeze %dma_wait3A_71 : memref<1x1x40x128xi32, #tpu.memory_space<hbm>> -> memref<40x128xi32, #tpu.memory_space<hbm>>
      tpu.wait_dma2 semaphore(%run_scoped3A_56 : memref<!tpu.dma_semaphore, #tpu.memory_space<semaphore_mem>>) src(%dma_wait3A_72 : memref<40x128xi32, #tpu.memory_space<hbm>>) dst(%arg7 : memref<40x128xi32, #tpu.memory_space<vmem>>)
      tpu.yield
    }) : () -> ()
    "tpu.region"() ({
      %run_scoped3A_56 = tpu.sem_alloc : memref<!tpu.dma_semaphore, #tpu.memory_space<semaphore_mem>>
      %dma_start3A_57 = arith.constant 0 : i32
      %dma_start3A_58 = arith.constant 0 : i32
      %dma_start3A_59 = tpu.memref_slice %arg5[%arg0, %arg1, %dma_start3A_57, %dma_start3A_58] : memref<2x16x40x128xi32, #tpu.memory_space<hbm>> -> memref<1x1x40x128xi32, #tpu.memory_space<hbm>>
      %dma_start3A_60 = tpu.memref_squeeze %dma_start3A_59 : memref<1x1x40x128xi32, #tpu.memory_space<hbm>> -> memref<40x128xi32, #tpu.memory_space<hbm>>
      %dma_start3A_61 = arith.constant 0 : i32
      %dma_start3A_62 = arith.constant 0 : i32
      %dma_start3A_63 = tpu.memref_slice %arg5[%arg0, %arg1, %dma_start3A_61, %dma_start3A_62] : memref<2x16x40x128xi32, #tpu.memory_space<hbm>> -> memref<1x1x40x128xi32, #tpu.memory_space<hbm>>
      %dma_start3A_64 = tpu.memref_squeeze %dma_start3A_63 : memref<1x1x40x128xi32, #tpu.memory_space<hbm>> -> memref<40x128xi32, #tpu.memory_space<hbm>>
      tpu.enqueue_dma source(%dma_start3A_64 : memref<40x128xi32, #tpu.memory_space<hbm>>) target(%arg8 : memref<40x128xi32, #tpu.memory_space<vmem>>) target_semaphore(%run_scoped3A_56 : memref<!tpu.dma_semaphore, #tpu.memory_space<semaphore_mem>>)
      %dma_wait3A_65 = arith.constant 0 : i32
      %dma_wait3A_66 = arith.constant 0 : i32
      %dma_wait3A_67 = tpu.memref_slice %arg5[%arg0, %arg1, %dma_wait3A_65, %dma_wait3A_66] : memref<2x16x40x128xi32, #tpu.memory_space<hbm>> -> memref<1x1x40x128xi32, #tpu.memory_space<hbm>>
      %dma_wait3A_68 = tpu.memref_squeeze %dma_wait3A_67 : memref<1x1x40x128xi32, #tpu.memory_space<hbm>> -> memref<40x128xi32, #tpu.memory_space<hbm>>
      %dma_wait3A_69 = arith.constant 0 : i32
      %dma_wait3A_70 = arith.constant 0 : i32
      %dma_wait3A_71 = tpu.memref_slice %arg5[%arg0, %arg1, %dma_wait3A_69, %dma_wait3A_70] : memref<2x16x40x128xi32, #tpu.memory_space<hbm>> -> memref<1x1x40x128xi32, #tpu.memory_space<hbm>>
      %dma_wait3A_72 = tpu.memref_squeeze %dma_wait3A_71 : memref<1x1x40x128xi32, #tpu.memory_space<hbm>> -> memref<40x128xi32, #tpu.memory_space<hbm>>
      tpu.wait_dma2 semaphore(%run_scoped3A_56 : memref<!tpu.dma_semaphore, #tpu.memory_space<semaphore_mem>>) src(%dma_wait3A_72 : memref<40x128xi32, #tpu.memory_space<hbm>>) dst(%arg8 : memref<40x128xi32, #tpu.memory_space<vmem>>)
      tpu.yield
    }) : () -> ()
    %barrier3A = arith.constant 0 : index
    tpu.barrier barrier_id(%barrier3A)
    %dma_start3A = arith.constant 0 : i32
    %dma_start3A_1 = arith.constant 0 : i32
    %dma_start3A_2 = arith.constant 0 : i32
    %dma_start3A_3 = arith.constant 0 : i32
    %dma_start3A_4 = tpu.memref_slice %arg9[%dma_start3A_1, %dma_start3A_2, %dma_start3A_3] : memref<2x128x128xf32, #tpu.memory_space<vmem>> -> memref<1x128x128xf32, #tpu.memory_space<vmem>>
    %dma_start3A_5 = tpu.memref_squeeze %dma_start3A_4 : memref<1x128x128xf32, #tpu.memory_space<vmem>> -> memref<128x128xf32, #tpu.memory_space<vmem>>
    %dma_start3A_6 = arith.constant 0 : i32
    %dma_start3A_7 = tpu.memref_slice %arg7[%dma_start3A, %dma_start3A_6] : memref<40x128xi32, #tpu.memory_space<vmem>> -> memref<1x128xi32, #tpu.memory_space<vmem>>
    %dma_start3A_8 = tpu.memref_squeeze %dma_start3A_7 : memref<1x128xi32, #tpu.memory_space<vmem>> -> memref<128xi32, #tpu.memory_space<vmem>>
    %dma_start3A_9 = arith.constant 0 : i32
    %dma_start3A_10 = arith.constant 0 : i32
    %dma_start3A_11 = tpu.memref_slice %arg2[%dma_start3A_9, %dma_start3A_10] : memref<10240x128xf32, #tpu.memory_space<hbm>> -> memref<10240x128xf32, #tpu.memory_space<hbm>>
    tpu.enqueue_indirect_dma source(%dma_start3A_11 : memref<10240x128xf32, #tpu.memory_space<hbm>>) target(%dma_start3A_5 : memref<128x128xf32, #tpu.memory_space<vmem>>) offsets(%dma_start3A_8 : memref<128xi32, #tpu.memory_space<vmem>>) semaphore(%arg11 : memref<!tpu.dma_semaphore, #tpu.memory_space<semaphore_mem>>)
    %dma_start3A_12 = arith.constant 1 : i32
    %dma_start3A_13 = arith.constant 1 : i32
    %dma_start3A_14 = arith.constant 0 : i32
    %dma_start3A_15 = arith.constant 0 : i32
    %dma_start3A_16 = tpu.memref_slice %arg9[%dma_start3A_13, %dma_start3A_14, %dma_start3A_15] : memref<2x128x128xf32, #tpu.memory_space<vmem>> -> memref<1x128x128xf32, #tpu.memory_space<vmem>>
    %dma_start3A_17 = tpu.memref_squeeze %dma_start3A_16 : memref<1x128x128xf32, #tpu.memory_space<vmem>> -> memref<128x128xf32, #tpu.memory_space<vmem>>
    %dma_start3A_18 = arith.constant 0 : i32
    %dma_start3A_19 = tpu.memref_slice %arg7[%dma_start3A_12, %dma_start3A_18] : memref<40x128xi32, #tpu.memory_space<vmem>> -> memref<1x128xi32, #tpu.memory_space<vmem>>
    %dma_start3A_20 = tpu.memref_squeeze %dma_start3A_19 : memref<1x128xi32, #tpu.memory_space<vmem>> -> memref<128xi32, #tpu.memory_space<vmem>>
    %dma_start3A_21 = arith.constant 0 : i32
    %dma_start3A_22 = arith.constant 0 : i32
    %dma_start3A_23 = tpu.memref_slice %arg2[%dma_start3A_21, %dma_start3A_22] : memref<10240x128xf32, #tpu.memory_space<hbm>> -> memref<10240x128xf32, #tpu.memory_space<hbm>>
    tpu.enqueue_indirect_dma source(%dma_start3A_23 : memref<10240x128xf32, #tpu.memory_space<hbm>>) target(%dma_start3A_17 : memref<128x128xf32, #tpu.memory_space<vmem>>) offsets(%dma_start3A_20 : memref<128xi32, #tpu.memory_space<vmem>>) semaphore(%arg12 : memref<!tpu.dma_semaphore, #tpu.memory_space<semaphore_mem>>)
    %scan3A = arith.constant 0 : i32
    %scan3A_24 = arith.constant 0 : i32
    %scan3A_25 = arith.constant 19 : i32
    %scan3A_26 = arith.addi %scan3A_24, %scan3A_25 : i32
    %scan3A_27 = arith.constant 1 : i32
    scf.for %scan3A_56 = %scan3A_24 to %scan3A_26 step %scan3A_27  : i32 {
      %mul3A_57 = arith.constant 2 : i32
      %mul3A_58 = arith.muli %scan3A_56, %mul3A_57 : i32
      %add3A = arith.constant 0 : i32
      %add3A_59 = arith.addi %mul3A_58, %add3A : i32
      %dma_wait3A_60 = arith.constant 0 : i32
      %dma_wait3A_61 = arith.constant 0 : i32
      %dma_wait3A_62 = arith.constant 0 : i32
      %dma_wait3A_63 = tpu.memref_slice %arg9[%dma_wait3A_60, %dma_wait3A_61, %dma_wait3A_62] : memref<2x128x128xf32, #tpu.memory_space<vmem>> -> memref<1x128x128xf32, #tpu.memory_space<vmem>>
      %dma_wait3A_64 = tpu.memref_squeeze %dma_wait3A_63 : memref<1x128x128xf32, #tpu.memory_space<vmem>> -> memref<128x128xf32, #tpu.memory_space<vmem>>
      %dma_wait3A_65 = arith.constant 0 : i32
      %dma_wait3A_66 = tpu.memref_slice %arg7[%add3A_59, %dma_wait3A_65] : memref<40x128xi32, #tpu.memory_space<vmem>> -> memref<1x128xi32, #tpu.memory_space<vmem>>
      %dma_wait3A_67 = tpu.memref_squeeze %dma_wait3A_66 : memref<1x128xi32, #tpu.memory_space<vmem>> -> memref<128xi32, #tpu.memory_space<vmem>>
      %dma_wait3A_68 = arith.constant 0 : i32
      %dma_wait3A_69 = arith.constant 0 : i32
      %dma_wait3A_70 = tpu.memref_slice %arg2[%dma_wait3A_68, %dma_wait3A_69] : memref<10240x128xf32, #tpu.memory_space<hbm>> -> memref<10240x128xf32, #tpu.memory_space<hbm>>
      tpu.wait_indirect_dma semaphore(%arg11 : memref<!tpu.dma_semaphore, #tpu.memory_space<semaphore_mem>>) src(%dma_wait3A_70 : memref<10240x128xf32, #tpu.memory_space<hbm>>) dst(%dma_wait3A_64 : memref<128x128xf32, #tpu.memory_space<vmem>>)
      %run_scoped3A_71 = arith.constant 0 : i32
      "tpu.region"() ({
        %run_scoped3A_112 = tpu.sem_alloc : memref<!tpu.dma_semaphore, #tpu.memory_space<semaphore_mem>>
        %dma_start3A_113 = arith.constant 0 : i32
        %dma_start3A_114 = arith.constant 0 : i32
        %dma_start3A_115 = tpu.memref_slice %arg9[%run_scoped3A_71, %dma_start3A_113, %dma_start3A_114] : memref<2x128x128xf32, #tpu.memory_space<vmem>> -> memref<1x128x128xf32, #tpu.memory_space<vmem>>
        %dma_start3A_116 = tpu.memref_squeeze %dma_start3A_115 : memref<1x128x128xf32, #tpu.memory_space<vmem>> -> memref<128x128xf32, #tpu.memory_space<vmem>>
        %dma_start3A_117 = arith.constant 0 : i32
        %dma_start3A_118 = tpu.memref_slice %arg8[%add3A_59, %dma_start3A_117] : memref<40x128xi32, #tpu.memory_space<vmem>> -> memref<1x128xi32, #tpu.memory_space<vmem>>
        %dma_start3A_119 = tpu.memref_squeeze %dma_start3A_118 : memref<1x128xi32, #tpu.memory_space<vmem>> -> memref<128xi32, #tpu.memory_space<vmem>>
        %dma_start3A_120 = arith.constant 0 : i32
        %dma_start3A_121 = arith.constant 0 : i32
        %dma_start3A_122 = tpu.memref_slice %arg10[%dma_start3A_120, %dma_start3A_121] : memref<10240x128xf32, #tpu.memory_space<vmem_shared>> -> memref<10240x128xf32, #tpu.memory_space<vmem_shared>>
        tpu.enqueue_indirect_dma source(%dma_start3A_116 : memref<128x128xf32, #tpu.memory_space<vmem>>) target(%dma_start3A_122 : memref<10240x128xf32, #tpu.memory_space<vmem_shared>>) offsets(%dma_start3A_119 : memref<128xi32, #tpu.memory_space<vmem>>) semaphore(%run_scoped3A_112 : memref<!tpu.dma_semaphore, #tpu.memory_space<semaphore_mem>>) {add = true}
        %dma_wait3A_123 = arith.constant 0 : i32
        %dma_wait3A_124 = arith.constant 0 : i32
        %dma_wait3A_125 = tpu.memref_slice %arg9[%run_scoped3A_71, %dma_wait3A_123, %dma_wait3A_124] : memref<2x128x128xf32, #tpu.memory_space<vmem>> -> memref<1x128x128xf32, #tpu.memory_space<vmem>>
        %dma_wait3A_126 = tpu.memref_squeeze %dma_wait3A_125 : memref<1x128x128xf32, #tpu.memory_space<vmem>> -> memref<128x128xf32, #tpu.memory_space<vmem>>
        %dma_wait3A_127 = arith.constant 0 : i32
        %dma_wait3A_128 = tpu.memref_slice %arg8[%add3A_59, %dma_wait3A_127] : memref<40x128xi32, #tpu.memory_space<vmem>> -> memref<1x128xi32, #tpu.memory_space<vmem>>
        %dma_wait3A_129 = tpu.memref_squeeze %dma_wait3A_128 : memref<1x128xi32, #tpu.memory_space<vmem>> -> memref<128xi32, #tpu.memory_space<vmem>>
        %dma_wait3A_130 = arith.constant 0 : i32
        %dma_wait3A_131 = arith.constant 0 : i32
        %dma_wait3A_132 = tpu.memref_slice %arg10[%dma_wait3A_130, %dma_wait3A_131] : memref<10240x128xf32, #tpu.memory_space<vmem_shared>> -> memref<10240x128xf32, #tpu.memory_space<vmem_shared>>
        tpu.wait_indirect_dma semaphore(%run_scoped3A_112 : memref<!tpu.dma_semaphore, #tpu.memory_space<semaphore_mem>>) src(%dma_wait3A_126 : memref<128x128xf32, #tpu.memory_space<vmem>>) dst(%dma_wait3A_132 : memref<10240x128xf32, #tpu.memory_space<vmem_shared>>)
        tpu.yield
      }) : () -> ()
      %add3A_72 = arith.constant 2 : i32
      %add3A_73 = arith.addi %add3A_59, %add3A_72 : i32
      %dma_start3A_74 = arith.constant 0 : i32
      %dma_start3A_75 = arith.constant 0 : i32
      %dma_start3A_76 = arith.constant 0 : i32
      %dma_start3A_77 = tpu.memref_slice %arg9[%dma_start3A_74, %dma_start3A_75, %dma_start3A_76] : memref<2x128x128xf32, #tpu.memory_space<vmem>> -> memref<1x128x128xf32, #tpu.memory_space<vmem>>
      %dma_start3A_78 = tpu.memref_squeeze %dma_start3A_77 : memref<1x128x128xf32, #tpu.memory_space<vmem>> -> memref<128x128xf32, #tpu.memory_space<vmem>>
      %dma_start3A_79 = arith.constant 0 : i32
      %dma_start3A_80 = tpu.memref_slice %arg7[%add3A_73, %dma_start3A_79] : memref<40x128xi32, #tpu.memory_space<vmem>> -> memref<1x128xi32, #tpu.memory_space<vmem>>
      %dma_start3A_81 = tpu.memref_squeeze %dma_start3A_80 : memref<1x128xi32, #tpu.memory_space<vmem>> -> memref<128xi32, #tpu.memory_space<vmem>>
      %dma_start3A_82 = arith.constant 0 : i32
      %dma_start3A_83 = arith.constant 0 : i32
      %dma_start3A_84 = tpu.memref_slice %arg2[%dma_start3A_82, %dma_start3A_83] : memref<10240x128xf32, #tpu.memory_space<hbm>> -> memref<10240x128xf32, #tpu.memory_space<hbm>>
      tpu.enqueue_indirect_dma source(%dma_start3A_84 : memref<10240x128xf32, #tpu.memory_space<hbm>>) target(%dma_start3A_78 : memref<128x128xf32, #tpu.memory_space<vmem>>) offsets(%dma_start3A_81 : memref<128xi32, #tpu.memory_space<vmem>>) semaphore(%arg11 : memref<!tpu.dma_semaphore, #tpu.memory_space<semaphore_mem>>)
      %add3A_85 = arith.constant 1 : i32
      %add3A_86 = arith.addi %mul3A_58, %add3A_85 : i32
      %dma_wait3A_87 = arith.constant 1 : i32
      %dma_wait3A_88 = arith.constant 0 : i32
      %dma_wait3A_89 = arith.constant 0 : i32
      %dma_wait3A_90 = tpu.memref_slice %arg9[%dma_wait3A_87, %dma_wait3A_88, %dma_wait3A_89] : memref<2x128x128xf32, #tpu.memory_space<vmem>> -> memref<1x128x128xf32, #tpu.memory_space<vmem>>
      %dma_wait3A_91 = tpu.memref_squeeze %dma_wait3A_90 : memref<1x128x128xf32, #tpu.memory_space<vmem>> -> memref<128x128xf32, #tpu.memory_space<vmem>>
      %dma_wait3A_92 = arith.constant 0 : i32
      %dma_wait3A_93 = tpu.memref_slice %arg7[%add3A_86, %dma_wait3A_92] : memref<40x128xi32, #tpu.memory_space<vmem>> -> memref<1x128xi32, #tpu.memory_space<vmem>>
      %dma_wait3A_94 = tpu.memref_squeeze %dma_wait3A_93 : memref<1x128xi32, #tpu.memory_space<vmem>> -> memref<128xi32, #tpu.memory_space<vmem>>
      %dma_wait3A_95 = arith.constant 0 : i32
      %dma_wait3A_96 = arith.constant 0 : i32
      %dma_wait3A_97 = tpu.memref_slice %arg2[%dma_wait3A_95, %dma_wait3A_96] : memref<10240x128xf32, #tpu.memory_space<hbm>> -> memref<10240x128xf32, #tpu.memory_space<hbm>>
      tpu.wait_indirect_dma semaphore(%arg12 : memref<!tpu.dma_semaphore, #tpu.memory_space<semaphore_mem>>) src(%dma_wait3A_97 : memref<10240x128xf32, #tpu.memory_space<hbm>>) dst(%dma_wait3A_91 : memref<128x128xf32, #tpu.memory_space<vmem>>)
      %run_scoped3A_98 = arith.constant 1 : i32
      "tpu.region"() ({
        %run_scoped3A_112 = tpu.sem_alloc : memref<!tpu.dma_semaphore, #tpu.memory_space<semaphore_mem>>
        %dma_start3A_113 = arith.constant 0 : i32
        %dma_start3A_114 = arith.constant 0 : i32
        %dma_start3A_115 = tpu.memref_slice %arg9[%run_scoped3A_98, %dma_start3A_113, %dma_start3A_114] : memref<2x128x128xf32, #tpu.memory_space<vmem>> -> memref<1x128x128xf32, #tpu.memory_space<vmem>>
        %dma_start3A_116 = tpu.memref_squeeze %dma_start3A_115 : memref<1x128x128xf32, #tpu.memory_space<vmem>> -> memref<128x128xf32, #tpu.memory_space<vmem>>
        %dma_start3A_117 = arith.constant 0 : i32
        %dma_start3A_118 = tpu.memref_slice %arg8[%add3A_86, %dma_start3A_117] : memref<40x128xi32, #tpu.memory_space<vmem>> -> memref<1x128xi32, #tpu.memory_space<vmem>>
        %dma_start3A_119 = tpu.memref_squeeze %dma_start3A_118 : memref<1x128xi32, #tpu.memory_space<vmem>> -> memref<128xi32, #tpu.memory_space<vmem>>
        %dma_start3A_120 = arith.constant 0 : i32
        %dma_start3A_121 = arith.constant 0 : i32
        %dma_start3A_122 = tpu.memref_slice %arg10[%dma_start3A_120, %dma_start3A_121] : memref<10240x128xf32, #tpu.memory_space<vmem_shared>> -> memref<10240x128xf32, #tpu.memory_space<vmem_shared>>
        tpu.enqueue_indirect_dma source(%dma_start3A_116 : memref<128x128xf32, #tpu.memory_space<vmem>>) target(%dma_start3A_122 : memref<10240x128xf32, #tpu.memory_space<vmem_shared>>) offsets(%dma_start3A_119 : memref<128xi32, #tpu.memory_space<vmem>>) semaphore(%run_scoped3A_112 : memref<!tpu.dma_semaphore, #tpu.memory_space<semaphore_mem>>) {add = true}
        %dma_wait3A_123 = arith.constant 0 : i32
        %dma_wait3A_124 = arith.constant 0 : i32
        %dma_wait3A_125 = tpu.memref_slice %arg9[%run_scoped3A_98, %dma_wait3A_123, %dma_wait3A_124] : memref<2x128x128xf32, #tpu.memory_space<vmem>> -> memref<1x128x128xf32, #tpu.memory_space<vmem>>
        %dma_wait3A_126 = tpu.memref_squeeze %dma_wait3A_125 : memref<1x128x128xf32, #tpu.memory_space<vmem>> -> memref<128x128xf32, #tpu.memory_space<vmem>>
        %dma_wait3A_127 = arith.constant 0 : i32
        %dma_wait3A_128 = tpu.memref_slice %arg8[%add3A_86, %dma_wait3A_127] : memref<40x128xi32, #tpu.memory_space<vmem>> -> memref<1x128xi32, #tpu.memory_space<vmem>>
        %dma_wait3A_129 = tpu.memref_squeeze %dma_wait3A_128 : memref<1x128xi32, #tpu.memory_space<vmem>> -> memref<128xi32, #tpu.memory_space<vmem>>
        %dma_wait3A_130 = arith.constant 0 : i32
        %dma_wait3A_131 = arith.constant 0 : i32
        %dma_wait3A_132 = tpu.memref_slice %arg10[%dma_wait3A_130, %dma_wait3A_131] : memref<10240x128xf32, #tpu.memory_space<vmem_shared>> -> memref<10240x128xf32, #tpu.memory_space<vmem_shared>>
        tpu.wait_indirect_dma semaphore(%run_scoped3A_112 : memref<!tpu.dma_semaphore, #tpu.memory_space<semaphore_mem>>) src(%dma_wait3A_126 : memref<128x128xf32, #tpu.memory_space<vmem>>) dst(%dma_wait3A_132 : memref<10240x128xf32, #tpu.memory_space<vmem_shared>>)
        tpu.yield
      }) : () -> ()
      %add3A_99 = arith.constant 2 : i32
      %add3A_100 = arith.addi %add3A_86, %add3A_99 : i32
      %dma_start3A_101 = arith.constant 1 : i32
      %dma_start3A_102 = arith.constant 0 : i32
      %dma_start3A_103 = arith.constant 0 : i32
      %dma_start3A_104 = tpu.memref_slice %arg9[%dma_start3A_101, %dma_start3A_102, %dma_start3A_103] : memref<2x128x128xf32, #tpu.memory_space<vmem>> -> memref<1x128x128xf32, #tpu.memory_space<vmem>>
      %dma_start3A_105 = tpu.memref_squeeze %dma_start3A_104 : memref<1x128x128xf32, #tpu.memory_space<vmem>> -> memref<128x128xf32, #tpu.memory_space<vmem>>
      %dma_start3A_106 = arith.constant 0 : i32
      %dma_start3A_107 = tpu.memref_slice %arg7[%add3A_100, %dma_start3A_106] : memref<40x128xi32, #tpu.memory_space<vmem>> -> memref<1x128xi32, #tpu.memory_space<vmem>>
      %dma_start3A_108 = tpu.memref_squeeze %dma_start3A_107 : memref<1x128xi32, #tpu.memory_space<vmem>> -> memref<128xi32, #tpu.memory_space<vmem>>
      %dma_start3A_109 = arith.constant 0 : i32
      %dma_start3A_110 = arith.constant 0 : i32
      %dma_start3A_111 = tpu.memref_slice %arg2[%dma_start3A_109, %dma_start3A_110] : memref<10240x128xf32, #tpu.memory_space<hbm>> -> memref<10240x128xf32, #tpu.memory_space<hbm>>
      tpu.enqueue_indirect_dma source(%dma_start3A_111 : memref<10240x128xf32, #tpu.memory_space<hbm>>) target(%dma_start3A_105 : memref<128x128xf32, #tpu.memory_space<vmem>>) offsets(%dma_start3A_108 : memref<128xi32, #tpu.memory_space<vmem>>) semaphore(%arg12 : memref<!tpu.dma_semaphore, #tpu.memory_space<semaphore_mem>>)
    }
    %scan3A_28 = arith.constant 19 : i32
    %dma_wait3A = arith.constant 38 : i32
    %dma_wait3A_29 = arith.constant 0 : i32
    %dma_wait3A_30 = arith.constant 0 : i32
    %dma_wait3A_31 = arith.constant 0 : i32
    %dma_wait3A_32 = tpu.memref_slice %arg9[%dma_wait3A_29, %dma_wait3A_30, %dma_wait3A_31] : memref<2x128x128xf32, #tpu.memory_space<vmem>> -> memref<1x128x128xf32, #tpu.memory_space<vmem>>
    %dma_wait3A_33 = tpu.memref_squeeze %dma_wait3A_32 : memref<1x128x128xf32, #tpu.memory_space<vmem>> -> memref<128x128xf32, #tpu.memory_space<vmem>>
    %dma_wait3A_34 = arith.constant 0 : i32
    %dma_wait3A_35 = tpu.memref_slice %arg7[%dma_wait3A, %dma_wait3A_34] : memref<40x128xi32, #tpu.memory_space<vmem>> -> memref<1x128xi32, #tpu.memory_space<vmem>>
    %dma_wait3A_36 = tpu.memref_squeeze %dma_wait3A_35 : memref<1x128xi32, #tpu.memory_space<vmem>> -> memref<128xi32, #tpu.memory_space<vmem>>
    %dma_wait3A_37 = arith.constant 0 : i32
    %dma_wait3A_38 = arith.constant 0 : i32
    %dma_wait3A_39 = tpu.memref_slice %arg2[%dma_wait3A_37, %dma_wait3A_38] : memref<10240x128xf32, #tpu.memory_space<hbm>> -> memref<10240x128xf32, #tpu.memory_space<hbm>>
    tpu.wait_indirect_dma semaphore(%arg11 : memref<!tpu.dma_semaphore, #tpu.memory_space<semaphore_mem>>) src(%dma_wait3A_39 : memref<10240x128xf32, #tpu.memory_space<hbm>>) dst(%dma_wait3A_33 : memref<128x128xf32, #tpu.memory_space<vmem>>)
    %run_scoped3A = arith.constant 0 : i32
    %run_scoped3A_40 = arith.constant 38 : i32
    "tpu.region"() ({
      %run_scoped3A_56 = tpu.sem_alloc : memref<!tpu.dma_semaphore, #tpu.memory_space<semaphore_mem>>
      %dma_start3A_57 = arith.constant 0 : i32
      %dma_start3A_58 = arith.constant 0 : i32
      %dma_start3A_59 = tpu.memref_slice %arg9[%run_scoped3A, %dma_start3A_57, %dma_start3A_58] : memref<2x128x128xf32, #tpu.memory_space<vmem>> -> memref<1x128x128xf32, #tpu.memory_space<vmem>>
      %dma_start3A_60 = tpu.memref_squeeze %dma_start3A_59 : memref<1x128x128xf32, #tpu.memory_space<vmem>> -> memref<128x128xf32, #tpu.memory_space<vmem>>
      %dma_start3A_61 = arith.constant 0 : i32
      %dma_start3A_62 = tpu.memref_slice %arg8[%run_scoped3A_40, %dma_start3A_61] : memref<40x128xi32, #tpu.memory_space<vmem>> -> memref<1x128xi32, #tpu.memory_space<vmem>>
      %dma_start3A_63 = tpu.memref_squeeze %dma_start3A_62 : memref<1x128xi32, #tpu.memory_space<vmem>> -> memref<128xi32, #tpu.memory_space<vmem>>
      %dma_start3A_64 = arith.constant 0 : i32
      %dma_start3A_65 = arith.constant 0 : i32
      %dma_start3A_66 = tpu.memref_slice %arg10[%dma_start3A_64, %dma_start3A_65] : memref<10240x128xf32, #tpu.memory_space<vmem_shared>> -> memref<10240x128xf32, #tpu.memory_space<vmem_shared>>
      tpu.enqueue_indirect_dma source(%dma_start3A_60 : memref<128x128xf32, #tpu.memory_space<vmem>>) target(%dma_start3A_66 : memref<10240x128xf32, #tpu.memory_space<vmem_shared>>) offsets(%dma_start3A_63 : memref<128xi32, #tpu.memory_space<vmem>>) semaphore(%run_scoped3A_56 : memref<!tpu.dma_semaphore, #tpu.memory_space<semaphore_mem>>) {add = true}
      %dma_wait3A_67 = arith.constant 0 : i32
      %dma_wait3A_68 = arith.constant 0 : i32
      %dma_wait3A_69 = tpu.memref_slice %arg9[%run_scoped3A, %dma_wait3A_67, %dma_wait3A_68] : memref<2x128x128xf32, #tpu.memory_space<vmem>> -> memref<1x128x128xf32, #tpu.memory_space<vmem>>
      %dma_wait3A_70 = tpu.memref_squeeze %dma_wait3A_69 : memref<1x128x128xf32, #tpu.memory_space<vmem>> -> memref<128x128xf32, #tpu.memory_space<vmem>>
      %dma_wait3A_71 = arith.constant 0 : i32
      %dma_wait3A_72 = tpu.memref_slice %arg8[%run_scoped3A_40, %dma_wait3A_71] : memref<40x128xi32, #tpu.memory_space<vmem>> -> memref<1x128xi32, #tpu.memory_space<vmem>>
      %dma_wait3A_73 = tpu.memref_squeeze %dma_wait3A_72 : memref<1x128xi32, #tpu.memory_space<vmem>> -> memref<128xi32, #tpu.memory_space<vmem>>
      %dma_wait3A_74 = arith.constant 0 : i32
      %dma_wait3A_75 = arith.constant 0 : i32
      %dma_wait3A_76 = tpu.memref_slice %arg10[%dma_wait3A_74, %dma_wait3A_75] : memref<10240x128xf32, #tpu.memory_space<vmem_shared>> -> memref<10240x128xf32, #tpu.memory_space<vmem_shared>>
      tpu.wait_indirect_dma semaphore(%run_scoped3A_56 : memref<!tpu.dma_semaphore, #tpu.memory_space<semaphore_mem>>) src(%dma_wait3A_70 : memref<128x128xf32, #tpu.memory_space<vmem>>) dst(%dma_wait3A_76 : memref<10240x128xf32, #tpu.memory_space<vmem_shared>>)
      tpu.yield
    }) : () -> ()
    %dma_wait3A_41 = arith.constant 39 : i32
    %dma_wait3A_42 = arith.constant 1 : i32
    %dma_wait3A_43 = arith.constant 0 : i32
    %dma_wait3A_44 = arith.constant 0 : i32
    %dma_wait3A_45 = tpu.memref_slice %arg9[%dma_wait3A_42, %dma_wait3A_43, %dma_wait3A_44] : memref<2x128x128xf32, #tpu.memory_space<vmem>> -> memref<1x128x128xf32, #tpu.memory_space<vmem>>
    %dma_wait3A_46 = tpu.memref_squeeze %dma_wait3A_45 : memref<1x128x128xf32, #tpu.memory_space<vmem>> -> memref<128x128xf32, #tpu.memory_space<vmem>>
    %dma_wait3A_47 = arith.constant 0 : i32
    %dma_wait3A_48 = tpu.memref_slice %arg7[%dma_wait3A_41, %dma_wait3A_47] : memref<40x128xi32, #tpu.memory_space<vmem>> -> memref<1x128xi32, #tpu.memory_space<vmem>>
    %dma_wait3A_49 = tpu.memref_squeeze %dma_wait3A_48 : memref<1x128xi32, #tpu.memory_space<vmem>> -> memref<128xi32, #tpu.memory_space<vmem>>
    %dma_wait3A_50 = arith.constant 0 : i32
    %dma_wait3A_51 = arith.constant 0 : i32
    %dma_wait3A_52 = tpu.memref_slice %arg2[%dma_wait3A_50, %dma_wait3A_51] : memref<10240x128xf32, #tpu.memory_space<hbm>> -> memref<10240x128xf32, #tpu.memory_space<hbm>>
    tpu.wait_indirect_dma semaphore(%arg12 : memref<!tpu.dma_semaphore, #tpu.memory_space<semaphore_mem>>) src(%dma_wait3A_52 : memref<10240x128xf32, #tpu.memory_space<hbm>>) dst(%dma_wait3A_46 : memref<128x128xf32, #tpu.memory_space<vmem>>)
    %run_scoped3A_53 = arith.constant 1 : i32
    %run_scoped3A_54 = arith.constant 39 : i32
    "tpu.region"() ({
      %run_scoped3A_56 = tpu.sem_alloc : memref<!tpu.dma_semaphore, #tpu.memory_space<semaphore_mem>>
      %dma_start3A_57 = arith.constant 0 : i32
      %dma_start3A_58 = arith.constant 0 : i32
      %dma_start3A_59 = tpu.memref_slice %arg9[%run_scoped3A_53, %dma_start3A_57, %dma_start3A_58] : memref<2x128x128xf32, #tpu.memory_space<vmem>> -> memref<1x128x128xf32, #tpu.memory_space<vmem>>
      %dma_start3A_60 = tpu.memref_squeeze %dma_start3A_59 : memref<1x128x128xf32, #tpu.memory_space<vmem>> -> memref<128x128xf32, #tpu.memory_space<vmem>>
      %dma_start3A_61 = arith.constant 0 : i32
      %dma_start3A_62 = tpu.memref_slice %arg8[%run_scoped3A_54, %dma_start3A_61] : memref<40x128xi32, #tpu.memory_space<vmem>> -> memref<1x128xi32, #tpu.memory_space<vmem>>
      %dma_start3A_63 = tpu.memref_squeeze %dma_start3A_62 : memref<1x128xi32, #tpu.memory_space<vmem>> -> memref<128xi32, #tpu.memory_space<vmem>>
      %dma_start3A_64 = arith.constant 0 : i32
      %dma_start3A_65 = arith.constant 0 : i32
      %dma_start3A_66 = tpu.memref_slice %arg10[%dma_start3A_64, %dma_start3A_65] : memref<10240x128xf32, #tpu.memory_space<vmem_shared>> -> memref<10240x128xf32, #tpu.memory_space<vmem_shared>>
      tpu.enqueue_indirect_dma source(%dma_start3A_60 : memref<128x128xf32, #tpu.memory_space<vmem>>) target(%dma_start3A_66 : memref<10240x128xf32, #tpu.memory_space<vmem_shared>>) offsets(%dma_start3A_63 : memref<128xi32, #tpu.memory_space<vmem>>) semaphore(%run_scoped3A_56 : memref<!tpu.dma_semaphore, #tpu.memory_space<semaphore_mem>>) {add = true}
      %dma_wait3A_67 = arith.constant 0 : i32
      %dma_wait3A_68 = arith.constant 0 : i32
      %dma_wait3A_69 = tpu.memref_slice %arg9[%run_scoped3A_53, %dma_wait3A_67, %dma_wait3A_68] : memref<2x128x128xf32, #tpu.memory_space<vmem>> -> memref<1x128x128xf32, #tpu.memory_space<vmem>>
      %dma_wait3A_70 = tpu.memref_squeeze %dma_wait3A_69 : memref<1x128x128xf32, #tpu.memory_space<vmem>> -> memref<128x128xf32, #tpu.memory_space<vmem>>
      %dma_wait3A_71 = arith.constant 0 : i32
      %dma_wait3A_72 = tpu.memref_slice %arg8[%run_scoped3A_54, %dma_wait3A_71] : memref<40x128xi32, #tpu.memory_space<vmem>> -> memref<1x128xi32, #tpu.memory_space<vmem>>
      %dma_wait3A_73 = tpu.memref_squeeze %dma_wait3A_72 : memref<1x128xi32, #tpu.memory_space<vmem>> -> memref<128xi32, #tpu.memory_space<vmem>>
      %dma_wait3A_74 = arith.constant 0 : i32
      %dma_wait3A_75 = arith.constant 0 : i32
      %dma_wait3A_76 = tpu.memref_slice %arg10[%dma_wait3A_74, %dma_wait3A_75] : memref<10240x128xf32, #tpu.memory_space<vmem_shared>> -> memref<10240x128xf32, #tpu.memory_space<vmem_shared>>
      tpu.wait_indirect_dma semaphore(%run_scoped3A_56 : memref<!tpu.dma_semaphore, #tpu.memory_space<semaphore_mem>>) src(%dma_wait3A_70 : memref<128x128xf32, #tpu.memory_space<vmem>>) dst(%dma_wait3A_76 : memref<10240x128xf32, #tpu.memory_space<vmem_shared>>)
      tpu.yield
    }) : () -> ()
    %barrier3A_55 = arith.constant 0 : index
    tpu.barrier barrier_id(%barrier3A_55)
    "tpu.region"() ({
      %run_scoped3A_56 = tpu.sem_alloc : memref<!tpu.dma_semaphore, #tpu.memory_space<semaphore_mem>>
      %dma_start3A_57 = arith.constant 0 : i32
      %dma_start3A_58 = tpu.memref_slice %arg6[%arg0, %mul3A_0, %dma_start3A_57] : memref<2x10240x128xf32, #tpu.memory_space<hbm>> -> memref<1x640x128xf32, #tpu.memory_space<hbm>>
      %dma_start3A_59 = tpu.memref_squeeze %dma_start3A_58 : memref<1x640x128xf32, #tpu.memory_space<hbm>> -> memref<640x128xf32, #tpu.memory_space<hbm>>
      %dma_start3A_60 = arith.constant 0 : i32
      %dma_start3A_61 = tpu.memref_slice %arg10[%mul3A_0, %dma_start3A_60] : memref<10240x128xf32, #tpu.memory_space<vmem_shared>> -> memref<640x128xf32, #tpu.memory_space<vmem_shared>>
      tpu.enqueue_dma source(%dma_start3A_61 : memref<640x128xf32, #tpu.memory_space<vmem_shared>>) target(%dma_start3A_59 : memref<640x128xf32, #tpu.memory_space<hbm>>) target_semaphore(%run_scoped3A_56 : memref<!tpu.dma_semaphore, #tpu.memory_space<semaphore_mem>>)
      %dma_wait3A_62 = arith.constant 0 : i32
      %dma_wait3A_63 = tpu.memref_slice %arg6[%arg0, %mul3A_0, %dma_wait3A_62] : memref<2x10240x128xf32, #tpu.memory_space<hbm>> -> memref<1x640x128xf32, #tpu.memory_space<hbm>>
      %dma_wait3A_64 = tpu.memref_squeeze %dma_wait3A_63 : memref<1x640x128xf32, #tpu.memory_space<hbm>> -> memref<640x128xf32, #tpu.memory_space<hbm>>
      %dma_wait3A_65 = arith.constant 0 : i32
      %dma_wait3A_66 = tpu.memref_slice %arg10[%mul3A_0, %dma_wait3A_65] : memref<10240x128xf32, #tpu.memory_space<vmem_shared>> -> memref<640x128xf32, #tpu.memory_space<vmem_shared>>
      tpu.wait_dma2 semaphore(%run_scoped3A_56 : memref<!tpu.dma_semaphore, #tpu.memory_space<semaphore_mem>>) src(%dma_wait3A_66 : memref<640x128xf32, #tpu.memory_space<vmem_shared>>) dst(%dma_wait3A_64 : memref<640x128xf32, #tpu.memory_space<hbm>>)
      tpu.yield
    }) : () -> ()
    return
  }
}

#map = affine_map<(d0, d1) -> (0, 0)>
#map1 = affine_map<(d0, d1) -> (0, 0, 0)>
#map2 = affine_map<(d0, d1) -> (0, 0, 0, 0)>
module attributes {stable_mosaic.version = 14 : i64} {
  func.func @_layer_body(%arg0: i32, %arg1: i32, %arg2: memref<10240x128xf32, #tpu.memory_space<hbm>>, %arg3: memref<2x10240x128xf32, #tpu.memory_space<hbm>>, %arg4: memref<2x16x40x128xi32, #tpu.memory_space<hbm>>, %arg5: memref<2x16x40x128xi32, #tpu.memory_space<hbm>>, %arg6: memref<2x10240x128xf32, #tpu.memory_space<hbm>>, %arg7: memref<40x128xi32, #tpu.memory_space<vmem>>, %arg8: memref<40x128xi32, #tpu.memory_space<vmem>>, %arg9: memref<2x128x128xf32, #tpu.memory_space<vmem>>, %arg10: memref<10240x128xf32, #tpu.memory_space<vmem_shared>>, %arg11: memref<!tpu.dma_semaphore, #tpu.memory_space<semaphore_mem>>, %arg12: memref<!tpu.dma_semaphore, #tpu.memory_space<semaphore_mem>>) attributes {dimension_semantics = [#tpu.dimension_semantics<core_parallel>, #tpu.dimension_semantics<subcore_parallel>], iteration_bounds = array<i64: 2, 16>, scalar_prefetch = 0 : i64, scratch_operands = 6 : i64, tpu.core_type = #tpu.core_type<sc_vector_subcore>, window_params = [{transform_indices = #map}, {transform_indices = #map1}, {transform_indices = #map2}, {transform_indices = #map2}, {transform_indices = #map1}]} {
    %mul3A = arith.constant 640 : i32
    %mul3A_0 = arith.muli %arg1, %mul3A : i32
    "tpu.region"() ({
      %run_scoped3A_56 = tpu.sem_alloc : memref<!tpu.dma_semaphore, #tpu.memory_space<semaphore_mem>>
      %dma_start3A_57 = arith.constant 0 : i32
      %dma_start3A_58 = tpu.memref_slice %arg10[%mul3A_0, %dma_start3A_57] : memref<10240x128xf32, #tpu.memory_space<vmem_shared>> -> memref<640x128xf32, #tpu.memory_space<vmem_shared>>
      %dma_start3A_59 = arith.constant 0 : i32
      %dma_start3A_60 = tpu.memref_slice %arg3[%arg0, %mul3A_0, %dma_start3A_59] : memref<2x10240x128xf32, #tpu.memory_space<hbm>> -> memref<1x640x128xf32, #tpu.memory_space<hbm>>
      %dma_start3A_61 = tpu.memref_squeeze %dma_start3A_60 : memref<1x640x128xf32, #tpu.memory_space<hbm>> -> memref<640x128xf32, #tpu.memory_space<hbm>>
      tpu.enqueue_dma source(%dma_start3A_61 : memref<640x128xf32, #tpu.memory_space<hbm>>) target(%dma_start3A_58 : memref<640x128xf32, #tpu.memory_space<vmem_shared>>) target_semaphore(%run_scoped3A_56 : memref<!tpu.dma_semaphore, #tpu.memory_space<semaphore_mem>>)
      %dma_wait3A_62 = arith.constant 0 : i32
      %dma_wait3A_63 = tpu.memref_slice %arg10[%mul3A_0, %dma_wait3A_62] : memref<10240x128xf32, #tpu.memory_space<vmem_shared>> -> memref<640x128xf32, #tpu.memory_space<vmem_shared>>
      %dma_wait3A_64 = arith.constant 0 : i32
      %dma_wait3A_65 = tpu.memref_slice %arg3[%arg0, %mul3A_0, %dma_wait3A_64] : memref<2x10240x128xf32, #tpu.memory_space<hbm>> -> memref<1x640x128xf32, #tpu.memory_space<hbm>>
      %dma_wait3A_66 = tpu.memref_squeeze %dma_wait3A_65 : memref<1x640x128xf32, #tpu.memory_space<hbm>> -> memref<640x128xf32, #tpu.memory_space<hbm>>
      tpu.wait_dma2 semaphore(%run_scoped3A_56 : memref<!tpu.dma_semaphore, #tpu.memory_space<semaphore_mem>>) src(%dma_wait3A_66 : memref<640x128xf32, #tpu.memory_space<hbm>>) dst(%dma_wait3A_63 : memref<640x128xf32, #tpu.memory_space<vmem_shared>>)
      tpu.yield
    }) : () -> ()
    "tpu.region"() ({
      %run_scoped3A_56 = tpu.sem_alloc : memref<!tpu.dma_semaphore, #tpu.memory_space<semaphore_mem>>
      %dma_start3A_57 = arith.constant 0 : i32
      %dma_start3A_58 = arith.constant 0 : i32
      %dma_start3A_59 = tpu.memref_slice %arg4[%arg0, %arg1, %dma_start3A_57, %dma_start3A_58] : memref<2x16x40x128xi32, #tpu.memory_space<hbm>> -> memref<1x1x40x128xi32, #tpu.memory_space<hbm>>
      %dma_start3A_60 = tpu.memref_squeeze %dma_start3A_59 : memref<1x1x40x128xi32, #tpu.memory_space<hbm>> -> memref<40x128xi32, #tpu.memory_space<hbm>>
      %dma_start3A_61 = arith.constant 0 : i32
      %dma_start3A_62 = arith.constant 0 : i32
      %dma_start3A_63 = tpu.memref_slice %arg4[%arg0, %arg1, %dma_start3A_61, %dma_start3A_62] : memref<2x16x40x128xi32, #tpu.memory_space<hbm>> -> memref<1x1x40x128xi32, #tpu.memory_space<hbm>>
      %dma_start3A_64 = tpu.memref_squeeze %dma_start3A_63 : memref<1x1x40x128xi32, #tpu.memory_space<hbm>> -> memref<40x128xi32, #tpu.memory_space<hbm>>
      tpu.enqueue_dma source(%dma_start3A_64 : memref<40x128xi32, #tpu.memory_space<hbm>>) target(%arg7 : memref<40x128xi32, #tpu.memory_space<vmem>>) target_semaphore(%run_scoped3A_56 : memref<!tpu.dma_semaphore, #tpu.memory_space<semaphore_mem>>)
      %dma_wait3A_65 = arith.constant 0 : i32
      %dma_wait3A_66 = arith.constant 0 : i32
      %dma_wait3A_67 = tpu.memref_slice %arg4[%arg0, %arg1, %dma_wait3A_65, %dma_wait3A_66] : memref<2x16x40x128xi32, #tpu.memory_space<hbm>> -> memref<1x1x40x128xi32, #tpu.memory_space<hbm>>
      %dma_wait3A_68 = tpu.memref_squeeze %dma_wait3A_67 : memref<1x1x40x128xi32, #tpu.memory_space<hbm>> -> memref<40x128xi32, #tpu.memory_space<hbm>>
      %dma_wait3A_69 = arith.constant 0 : i32
      %dma_wait3A_70 = arith.constant 0 : i32
      %dma_wait3A_71 = tpu.memref_slice %arg4[%arg0, %arg1, %dma_wait3A_69, %dma_wait3A_70] : memref<2x16x40x128xi32, #tpu.memory_space<hbm>> -> memref<1x1x40x128xi32, #tpu.memory_space<hbm>>
      %dma_wait3A_72 = tpu.memref_squeeze %dma_wait3A_71 : memref<1x1x40x128xi32, #tpu.memory_space<hbm>> -> memref<40x128xi32, #tpu.memory_space<hbm>>
      tpu.wait_dma2 semaphore(%run_scoped3A_56 : memref<!tpu.dma_semaphore, #tpu.memory_space<semaphore_mem>>) src(%dma_wait3A_72 : memref<40x128xi32, #tpu.memory_space<hbm>>) dst(%arg7 : memref<40x128xi32, #tpu.memory_space<vmem>>)
      tpu.yield
    }) : () -> ()
    "tpu.region"() ({
      %run_scoped3A_56 = tpu.sem_alloc : memref<!tpu.dma_semaphore, #tpu.memory_space<semaphore_mem>>
      %dma_start3A_57 = arith.constant 0 : i32
      %dma_start3A_58 = arith.constant 0 : i32
      %dma_start3A_59 = tpu.memref_slice %arg5[%arg0, %arg1, %dma_start3A_57, %dma_start3A_58] : memref<2x16x40x128xi32, #tpu.memory_space<hbm>> -> memref<1x1x40x128xi32, #tpu.memory_space<hbm>>
      %dma_start3A_60 = tpu.memref_squeeze %dma_start3A_59 : memref<1x1x40x128xi32, #tpu.memory_space<hbm>> -> memref<40x128xi32, #tpu.memory_space<hbm>>
      %dma_start3A_61 = arith.constant 0 : i32
      %dma_start3A_62 = arith.constant 0 : i32
      %dma_start3A_63 = tpu.memref_slice %arg5[%arg0, %arg1, %dma_start3A_61, %dma_start3A_62] : memref<2x16x40x128xi32, #tpu.memory_space<hbm>> -> memref<1x1x40x128xi32, #tpu.memory_space<hbm>>
      %dma_start3A_64 = tpu.memref_squeeze %dma_start3A_63 : memref<1x1x40x128xi32, #tpu.memory_space<hbm>> -> memref<40x128xi32, #tpu.memory_space<hbm>>
      tpu.enqueue_dma source(%dma_start3A_64 : memref<40x128xi32, #tpu.memory_space<hbm>>) target(%arg8 : memref<40x128xi32, #tpu.memory_space<vmem>>) target_semaphore(%run_scoped3A_56 : memref<!tpu.dma_semaphore, #tpu.memory_space<semaphore_mem>>)
      %dma_wait3A_65 = arith.constant 0 : i32
      %dma_wait3A_66 = arith.constant 0 : i32
      %dma_wait3A_67 = tpu.memref_slice %arg5[%arg0, %arg1, %dma_wait3A_65, %dma_wait3A_66] : memref<2x16x40x128xi32, #tpu.memory_space<hbm>> -> memref<1x1x40x128xi32, #tpu.memory_space<hbm>>
      %dma_wait3A_68 = tpu.memref_squeeze %dma_wait3A_67 : memref<1x1x40x128xi32, #tpu.memory_space<hbm>> -> memref<40x128xi32, #tpu.memory_space<hbm>>
      %dma_wait3A_69 = arith.constant 0 : i32
      %dma_wait3A_70 = arith.constant 0 : i32
      %dma_wait3A_71 = tpu.memref_slice %arg5[%arg0, %arg1, %dma_wait3A_69, %dma_wait3A_70] : memref<2x16x40x128xi32, #tpu.memory_space<hbm>> -> memref<1x1x40x128xi32, #tpu.memory_space<hbm>>
      %dma_wait3A_72 = tpu.memref_squeeze %dma_wait3A_71 : memref<1x1x40x128xi32, #tpu.memory_space<hbm>> -> memref<40x128xi32, #tpu.memory_space<hbm>>
      tpu.wait_dma2 semaphore(%run_scoped3A_56 : memref<!tpu.dma_semaphore, #tpu.memory_space<semaphore_mem>>) src(%dma_wait3A_72 : memref<40x128xi32, #tpu.memory_space<hbm>>) dst(%arg8 : memref<40x128xi32, #tpu.memory_space<vmem>>)
      tpu.yield
    }) : () -> ()
    %barrier3A = arith.constant 0 : index
    tpu.barrier barrier_id(%barrier3A)
    %dma_start3A = arith.constant 0 : i32
    %dma_start3A_1 = arith.constant 0 : i32
    %dma_start3A_2 = arith.constant 0 : i32
    %dma_start3A_3 = arith.constant 0 : i32
    %dma_start3A_4 = tpu.memref_slice %arg9[%dma_start3A_1, %dma_start3A_2, %dma_start3A_3] : memref<2x128x128xf32, #tpu.memory_space<vmem>> -> memref<1x128x128xf32, #tpu.memory_space<vmem>>
    %dma_start3A_5 = tpu.memref_squeeze %dma_start3A_4 : memref<1x128x128xf32, #tpu.memory_space<vmem>> -> memref<128x128xf32, #tpu.memory_space<vmem>>
    %dma_start3A_6 = arith.constant 0 : i32
    %dma_start3A_7 = tpu.memref_slice %arg7[%dma_start3A, %dma_start3A_6] : memref<40x128xi32, #tpu.memory_space<vmem>> -> memref<1x128xi32, #tpu.memory_space<vmem>>
    %dma_start3A_8 = tpu.memref_squeeze %dma_start3A_7 : memref<1x128xi32, #tpu.memory_space<vmem>> -> memref<128xi32, #tpu.memory_space<vmem>>
    %dma_start3A_9 = arith.constant 0 : i32
    %dma_start3A_10 = arith.constant 0 : i32
    %dma_start3A_11 = tpu.memref_slice %arg2[%dma_start3A_9, %dma_start3A_10] : memref<10240x128xf32, #tpu.memory_space<hbm>> -> memref<10240x128xf32, #tpu.memory_space<hbm>>
    tpu.enqueue_indirect_dma source(%dma_start3A_11 : memref<10240x128xf32, #tpu.memory_space<hbm>>) target(%dma_start3A_5 : memref<128x128xf32, #tpu.memory_space<vmem>>) offsets(%dma_start3A_8 : memref<128xi32, #tpu.memory_space<vmem>>) semaphore(%arg11 : memref<!tpu.dma_semaphore, #tpu.memory_space<semaphore_mem>>)
    %dma_start3A_12 = arith.constant 1 : i32
    %dma_start3A_13 = arith.constant 1 : i32
    %dma_start3A_14 = arith.constant 0 : i32
    %dma_start3A_15 = arith.constant 0 : i32
    %dma_start3A_16 = tpu.memref_slice %arg9[%dma_start3A_13, %dma_start3A_14, %dma_start3A_15] : memref<2x128x128xf32, #tpu.memory_space<vmem>> -> memref<1x128x128xf32, #tpu.memory_space<vmem>>
    %dma_start3A_17 = tpu.memref_squeeze %dma_start3A_16 : memref<1x128x128xf32, #tpu.memory_space<vmem>> -> memref<128x128xf32, #tpu.memory_space<vmem>>
    %dma_start3A_18 = arith.constant 0 : i32
    %dma_start3A_19 = tpu.memref_slice %arg7[%dma_start3A_12, %dma_start3A_18] : memref<40x128xi32, #tpu.memory_space<vmem>> -> memref<1x128xi32, #tpu.memory_space<vmem>>
    %dma_start3A_20 = tpu.memref_squeeze %dma_start3A_19 : memref<1x128xi32, #tpu.memory_space<vmem>> -> memref<128xi32, #tpu.memory_space<vmem>>
    %dma_start3A_21 = arith.constant 0 : i32
    %dma_start3A_22 = arith.constant 0 : i32
    %dma_start3A_23 = tpu.memref_slice %arg2[%dma_start3A_21, %dma_start3A_22] : memref<10240x128xf32, #tpu.memory_space<hbm>> -> memref<10240x128xf32, #tpu.memory_space<hbm>>
    tpu.enqueue_indirect_dma source(%dma_start3A_23 : memref<10240x128xf32, #tpu.memory_space<hbm>>) target(%dma_start3A_17 : memref<128x128xf32, #tpu.memory_space<vmem>>) offsets(%dma_start3A_20 : memref<128xi32, #tpu.memory_space<vmem>>) semaphore(%arg12 : memref<!tpu.dma_semaphore, #tpu.memory_space<semaphore_mem>>)
    %scan3A = arith.constant 0 : i32
    %scan3A_24 = arith.constant 0 : i32
    %scan3A_25 = arith.constant 19 : i32
    %scan3A_26 = arith.addi %scan3A_24, %scan3A_25 : i32
    %scan3A_27 = arith.constant 1 : i32
    scf.for %scan3A_56 = %scan3A_24 to %scan3A_26 step %scan3A_27  : i32 {
      %mul3A_57 = arith.constant 2 : i32
      %mul3A_58 = arith.muli %scan3A_56, %mul3A_57 : i32
      %add3A = arith.constant 0 : i32
      %add3A_59 = arith.addi %mul3A_58, %add3A : i32
      %dma_wait3A_60 = arith.constant 0 : i32
      %dma_wait3A_61 = arith.constant 0 : i32
      %dma_wait3A_62 = arith.constant 0 : i32
      %dma_wait3A_63 = tpu.memref_slice %arg9[%dma_wait3A_60, %dma_wait3A_61, %dma_wait3A_62] : memref<2x128x128xf32, #tpu.memory_space<vmem>> -> memref<1x128x128xf32, #tpu.memory_space<vmem>>
      %dma_wait3A_64 = tpu.memref_squeeze %dma_wait3A_63 : memref<1x128x128xf32, #tpu.memory_space<vmem>> -> memref<128x128xf32, #tpu.memory_space<vmem>>
      %dma_wait3A_65 = arith.constant 0 : i32
      %dma_wait3A_66 = tpu.memref_slice %arg7[%add3A_59, %dma_wait3A_65] : memref<40x128xi32, #tpu.memory_space<vmem>> -> memref<1x128xi32, #tpu.memory_space<vmem>>
      %dma_wait3A_67 = tpu.memref_squeeze %dma_wait3A_66 : memref<1x128xi32, #tpu.memory_space<vmem>> -> memref<128xi32, #tpu.memory_space<vmem>>
      %dma_wait3A_68 = arith.constant 0 : i32
      %dma_wait3A_69 = arith.constant 0 : i32
      %dma_wait3A_70 = tpu.memref_slice %arg2[%dma_wait3A_68, %dma_wait3A_69] : memref<10240x128xf32, #tpu.memory_space<hbm>> -> memref<10240x128xf32, #tpu.memory_space<hbm>>
      tpu.wait_indirect_dma semaphore(%arg11 : memref<!tpu.dma_semaphore, #tpu.memory_space<semaphore_mem>>) src(%dma_wait3A_70 : memref<10240x128xf32, #tpu.memory_space<hbm>>) dst(%dma_wait3A_64 : memref<128x128xf32, #tpu.memory_space<vmem>>)
      %run_scoped3A_71 = arith.constant 0 : i32
      "tpu.region"() ({
        %run_scoped3A_112 = tpu.sem_alloc : memref<!tpu.dma_semaphore, #tpu.memory_space<semaphore_mem>>
        %dma_start3A_113 = arith.constant 0 : i32
        %dma_start3A_114 = arith.constant 0 : i32
        %dma_start3A_115 = tpu.memref_slice %arg9[%run_scoped3A_71, %dma_start3A_113, %dma_start3A_114] : memref<2x128x128xf32, #tpu.memory_space<vmem>> -> memref<1x128x128xf32, #tpu.memory_space<vmem>>
        %dma_start3A_116 = tpu.memref_squeeze %dma_start3A_115 : memref<1x128x128xf32, #tpu.memory_space<vmem>> -> memref<128x128xf32, #tpu.memory_space<vmem>>
        %dma_start3A_117 = arith.constant 0 : i32
        %dma_start3A_118 = tpu.memref_slice %arg8[%add3A_59, %dma_start3A_117] : memref<40x128xi32, #tpu.memory_space<vmem>> -> memref<1x128xi32, #tpu.memory_space<vmem>>
        %dma_start3A_119 = tpu.memref_squeeze %dma_start3A_118 : memref<1x128xi32, #tpu.memory_space<vmem>> -> memref<128xi32, #tpu.memory_space<vmem>>
        %dma_start3A_120 = arith.constant 0 : i32
        %dma_start3A_121 = arith.constant 0 : i32
        %dma_start3A_122 = tpu.memref_slice %arg10[%dma_start3A_120, %dma_start3A_121] : memref<10240x128xf32, #tpu.memory_space<vmem_shared>> -> memref<10240x128xf32, #tpu.memory_space<vmem_shared>>
        tpu.enqueue_indirect_dma source(%dma_start3A_116 : memref<128x128xf32, #tpu.memory_space<vmem>>) target(%dma_start3A_122 : memref<10240x128xf32, #tpu.memory_space<vmem_shared>>) offsets(%dma_start3A_119 : memref<128xi32, #tpu.memory_space<vmem>>) semaphore(%run_scoped3A_112 : memref<!tpu.dma_semaphore, #tpu.memory_space<semaphore_mem>>) {add = true}
        %dma_wait3A_123 = arith.constant 0 : i32
        %dma_wait3A_124 = arith.constant 0 : i32
        %dma_wait3A_125 = tpu.memref_slice %arg9[%run_scoped3A_71, %dma_wait3A_123, %dma_wait3A_124] : memref<2x128x128xf32, #tpu.memory_space<vmem>> -> memref<1x128x128xf32, #tpu.memory_space<vmem>>
        %dma_wait3A_126 = tpu.memref_squeeze %dma_wait3A_125 : memref<1x128x128xf32, #tpu.memory_space<vmem>> -> memref<128x128xf32, #tpu.memory_space<vmem>>
        %dma_wait3A_127 = arith.constant 0 : i32
        %dma_wait3A_128 = tpu.memref_slice %arg8[%add3A_59, %dma_wait3A_127] : memref<40x128xi32, #tpu.memory_space<vmem>> -> memref<1x128xi32, #tpu.memory_space<vmem>>
        %dma_wait3A_129 = tpu.memref_squeeze %dma_wait3A_128 : memref<1x128xi32, #tpu.memory_space<vmem>> -> memref<128xi32, #tpu.memory_space<vmem>>
        %dma_wait3A_130 = arith.constant 0 : i32
        %dma_wait3A_131 = arith.constant 0 : i32
        %dma_wait3A_132 = tpu.memref_slice %arg10[%dma_wait3A_130, %dma_wait3A_131] : memref<10240x128xf32, #tpu.memory_space<vmem_shared>> -> memref<10240x128xf32, #tpu.memory_space<vmem_shared>>
        tpu.wait_indirect_dma semaphore(%run_scoped3A_112 : memref<!tpu.dma_semaphore, #tpu.memory_space<semaphore_mem>>) src(%dma_wait3A_126 : memref<128x128xf32, #tpu.memory_space<vmem>>) dst(%dma_wait3A_132 : memref<10240x128xf32, #tpu.memory_space<vmem_shared>>)
        tpu.yield
      }) : () -> ()
      %add3A_72 = arith.constant 2 : i32
      %add3A_73 = arith.addi %add3A_59, %add3A_72 : i32
      %dma_start3A_74 = arith.constant 0 : i32
      %dma_start3A_75 = arith.constant 0 : i32
      %dma_start3A_76 = arith.constant 0 : i32
      %dma_start3A_77 = tpu.memref_slice %arg9[%dma_start3A_74, %dma_start3A_75, %dma_start3A_76] : memref<2x128x128xf32, #tpu.memory_space<vmem>> -> memref<1x128x128xf32, #tpu.memory_space<vmem>>
      %dma_start3A_78 = tpu.memref_squeeze %dma_start3A_77 : memref<1x128x128xf32, #tpu.memory_space<vmem>> -> memref<128x128xf32, #tpu.memory_space<vmem>>
      %dma_start3A_79 = arith.constant 0 : i32
      %dma_start3A_80 = tpu.memref_slice %arg7[%add3A_73, %dma_start3A_79] : memref<40x128xi32, #tpu.memory_space<vmem>> -> memref<1x128xi32, #tpu.memory_space<vmem>>
      %dma_start3A_81 = tpu.memref_squeeze %dma_start3A_80 : memref<1x128xi32, #tpu.memory_space<vmem>> -> memref<128xi32, #tpu.memory_space<vmem>>
      %dma_start3A_82 = arith.constant 0 : i32
      %dma_start3A_83 = arith.constant 0 : i32
      %dma_start3A_84 = tpu.memref_slice %arg2[%dma_start3A_82, %dma_start3A_83] : memref<10240x128xf32, #tpu.memory_space<hbm>> -> memref<10240x128xf32, #tpu.memory_space<hbm>>
      tpu.enqueue_indirect_dma source(%dma_start3A_84 : memref<10240x128xf32, #tpu.memory_space<hbm>>) target(%dma_start3A_78 : memref<128x128xf32, #tpu.memory_space<vmem>>) offsets(%dma_start3A_81 : memref<128xi32, #tpu.memory_space<vmem>>) semaphore(%arg11 : memref<!tpu.dma_semaphore, #tpu.memory_space<semaphore_mem>>)
      %add3A_85 = arith.constant 1 : i32
      %add3A_86 = arith.addi %mul3A_58, %add3A_85 : i32
      %dma_wait3A_87 = arith.constant 1 : i32
      %dma_wait3A_88 = arith.constant 0 : i32
      %dma_wait3A_89 = arith.constant 0 : i32
      %dma_wait3A_90 = tpu.memref_slice %arg9[%dma_wait3A_87, %dma_wait3A_88, %dma_wait3A_89] : memref<2x128x128xf32, #tpu.memory_space<vmem>> -> memref<1x128x128xf32, #tpu.memory_space<vmem>>
      %dma_wait3A_91 = tpu.memref_squeeze %dma_wait3A_90 : memref<1x128x128xf32, #tpu.memory_space<vmem>> -> memref<128x128xf32, #tpu.memory_space<vmem>>
      %dma_wait3A_92 = arith.constant 0 : i32
      %dma_wait3A_93 = tpu.memref_slice %arg7[%add3A_86, %dma_wait3A_92] : memref<40x128xi32, #tpu.memory_space<vmem>> -> memref<1x128xi32, #tpu.memory_space<vmem>>
      %dma_wait3A_94 = tpu.memref_squeeze %dma_wait3A_93 : memref<1x128xi32, #tpu.memory_space<vmem>> -> memref<128xi32, #tpu.memory_space<vmem>>
      %dma_wait3A_95 = arith.constant 0 : i32
      %dma_wait3A_96 = arith.constant 0 : i32
      %dma_wait3A_97 = tpu.memref_slice %arg2[%dma_wait3A_95, %dma_wait3A_96] : memref<10240x128xf32, #tpu.memory_space<hbm>> -> memref<10240x128xf32, #tpu.memory_space<hbm>>
      tpu.wait_indirect_dma semaphore(%arg12 : memref<!tpu.dma_semaphore, #tpu.memory_space<semaphore_mem>>) src(%dma_wait3A_97 : memref<10240x128xf32, #tpu.memory_space<hbm>>) dst(%dma_wait3A_91 : memref<128x128xf32, #tpu.memory_space<vmem>>)
      %run_scoped3A_98 = arith.constant 1 : i32
      "tpu.region"() ({
        %run_scoped3A_112 = tpu.sem_alloc : memref<!tpu.dma_semaphore, #tpu.memory_space<semaphore_mem>>
        %dma_start3A_113 = arith.constant 0 : i32
        %dma_start3A_114 = arith.constant 0 : i32
        %dma_start3A_115 = tpu.memref_slice %arg9[%run_scoped3A_98, %dma_start3A_113, %dma_start3A_114] : memref<2x128x128xf32, #tpu.memory_space<vmem>> -> memref<1x128x128xf32, #tpu.memory_space<vmem>>
        %dma_start3A_116 = tpu.memref_squeeze %dma_start3A_115 : memref<1x128x128xf32, #tpu.memory_space<vmem>> -> memref<128x128xf32, #tpu.memory_space<vmem>>
        %dma_start3A_117 = arith.constant 0 : i32
        %dma_start3A_118 = tpu.memref_slice %arg8[%add3A_86, %dma_start3A_117] : memref<40x128xi32, #tpu.memory_space<vmem>> -> memref<1x128xi32, #tpu.memory_space<vmem>>
        %dma_start3A_119 = tpu.memref_squeeze %dma_start3A_118 : memref<1x128xi32, #tpu.memory_space<vmem>> -> memref<128xi32, #tpu.memory_space<vmem>>
        %dma_start3A_120 = arith.constant 0 : i32
        %dma_start3A_121 = arith.constant 0 : i32
        %dma_start3A_122 = tpu.memref_slice %arg10[%dma_start3A_120, %dma_start3A_121] : memref<10240x128xf32, #tpu.memory_space<vmem_shared>> -> memref<10240x128xf32, #tpu.memory_space<vmem_shared>>
        tpu.enqueue_indirect_dma source(%dma_start3A_116 : memref<128x128xf32, #tpu.memory_space<vmem>>) target(%dma_start3A_122 : memref<10240x128xf32, #tpu.memory_space<vmem_shared>>) offsets(%dma_start3A_119 : memref<128xi32, #tpu.memory_space<vmem>>) semaphore(%run_scoped3A_112 : memref<!tpu.dma_semaphore, #tpu.memory_space<semaphore_mem>>) {add = true}
        %dma_wait3A_123 = arith.constant 0 : i32
        %dma_wait3A_124 = arith.constant 0 : i32
        %dma_wait3A_125 = tpu.memref_slice %arg9[%run_scoped3A_98, %dma_wait3A_123, %dma_wait3A_124] : memref<2x128x128xf32, #tpu.memory_space<vmem>> -> memref<1x128x128xf32, #tpu.memory_space<vmem>>
        %dma_wait3A_126 = tpu.memref_squeeze %dma_wait3A_125 : memref<1x128x128xf32, #tpu.memory_space<vmem>> -> memref<128x128xf32, #tpu.memory_space<vmem>>
        %dma_wait3A_127 = arith.constant 0 : i32
        %dma_wait3A_128 = tpu.memref_slice %arg8[%add3A_86, %dma_wait3A_127] : memref<40x128xi32, #tpu.memory_space<vmem>> -> memref<1x128xi32, #tpu.memory_space<vmem>>
        %dma_wait3A_129 = tpu.memref_squeeze %dma_wait3A_128 : memref<1x128xi32, #tpu.memory_space<vmem>> -> memref<128xi32, #tpu.memory_space<vmem>>
        %dma_wait3A_130 = arith.constant 0 : i32
        %dma_wait3A_131 = arith.constant 0 : i32
        %dma_wait3A_132 = tpu.memref_slice %arg10[%dma_wait3A_130, %dma_wait3A_131] : memref<10240x128xf32, #tpu.memory_space<vmem_shared>> -> memref<10240x128xf32, #tpu.memory_space<vmem_shared>>
        tpu.wait_indirect_dma semaphore(%run_scoped3A_112 : memref<!tpu.dma_semaphore, #tpu.memory_space<semaphore_mem>>) src(%dma_wait3A_126 : memref<128x128xf32, #tpu.memory_space<vmem>>) dst(%dma_wait3A_132 : memref<10240x128xf32, #tpu.memory_space<vmem_shared>>)
        tpu.yield
      }) : () -> ()
      %add3A_99 = arith.constant 2 : i32
      %add3A_100 = arith.addi %add3A_86, %add3A_99 : i32
      %dma_start3A_101 = arith.constant 1 : i32
      %dma_start3A_102 = arith.constant 0 : i32
      %dma_start3A_103 = arith.constant 0 : i32
      %dma_start3A_104 = tpu.memref_slice %arg9[%dma_start3A_101, %dma_start3A_102, %dma_start3A_103] : memref<2x128x128xf32, #tpu.memory_space<vmem>> -> memref<1x128x128xf32, #tpu.memory_space<vmem>>
      %dma_start3A_105 = tpu.memref_squeeze %dma_start3A_104 : memref<1x128x128xf32, #tpu.memory_space<vmem>> -> memref<128x128xf32, #tpu.memory_space<vmem>>
      %dma_start3A_106 = arith.constant 0 : i32
      %dma_start3A_107 = tpu.memref_slice %arg7[%add3A_100, %dma_start3A_106] : memref<40x128xi32, #tpu.memory_space<vmem>> -> memref<1x128xi32, #tpu.memory_space<vmem>>
      %dma_start3A_108 = tpu.memref_squeeze %dma_start3A_107 : memref<1x128xi32, #tpu.memory_space<vmem>> -> memref<128xi32, #tpu.memory_space<vmem>>
      %dma_start3A_109 = arith.constant 0 : i32
      %dma_start3A_110 = arith.constant 0 : i32
      %dma_start3A_111 = tpu.memref_slice %arg2[%dma_start3A_109, %dma_start3A_110] : memref<10240x128xf32, #tpu.memory_space<hbm>> -> memref<10240x128xf32, #tpu.memory_space<hbm>>
      tpu.enqueue_indirect_dma source(%dma_start3A_111 : memref<10240x128xf32, #tpu.memory_space<hbm>>) target(%dma_start3A_105 : memref<128x128xf32, #tpu.memory_space<vmem>>) offsets(%dma_start3A_108 : memref<128xi32, #tpu.memory_space<vmem>>) semaphore(%arg12 : memref<!tpu.dma_semaphore, #tpu.memory_space<semaphore_mem>>)
    }
    %scan3A_28 = arith.constant 19 : i32
    %dma_wait3A = arith.constant 38 : i32
    %dma_wait3A_29 = arith.constant 0 : i32
    %dma_wait3A_30 = arith.constant 0 : i32
    %dma_wait3A_31 = arith.constant 0 : i32
    %dma_wait3A_32 = tpu.memref_slice %arg9[%dma_wait3A_29, %dma_wait3A_30, %dma_wait3A_31] : memref<2x128x128xf32, #tpu.memory_space<vmem>> -> memref<1x128x128xf32, #tpu.memory_space<vmem>>
    %dma_wait3A_33 = tpu.memref_squeeze %dma_wait3A_32 : memref<1x128x128xf32, #tpu.memory_space<vmem>> -> memref<128x128xf32, #tpu.memory_space<vmem>>
    %dma_wait3A_34 = arith.constant 0 : i32
    %dma_wait3A_35 = tpu.memref_slice %arg7[%dma_wait3A, %dma_wait3A_34] : memref<40x128xi32, #tpu.memory_space<vmem>> -> memref<1x128xi32, #tpu.memory_space<vmem>>
    %dma_wait3A_36 = tpu.memref_squeeze %dma_wait3A_35 : memref<1x128xi32, #tpu.memory_space<vmem>> -> memref<128xi32, #tpu.memory_space<vmem>>
    %dma_wait3A_37 = arith.constant 0 : i32
    %dma_wait3A_38 = arith.constant 0 : i32
    %dma_wait3A_39 = tpu.memref_slice %arg2[%dma_wait3A_37, %dma_wait3A_38] : memref<10240x128xf32, #tpu.memory_space<hbm>> -> memref<10240x128xf32, #tpu.memory_space<hbm>>
    tpu.wait_indirect_dma semaphore(%arg11 : memref<!tpu.dma_semaphore, #tpu.memory_space<semaphore_mem>>) src(%dma_wait3A_39 : memref<10240x128xf32, #tpu.memory_space<hbm>>) dst(%dma_wait3A_33 : memref<128x128xf32, #tpu.memory_space<vmem>>)
    %run_scoped3A = arith.constant 0 : i32
    %run_scoped3A_40 = arith.constant 38 : i32
    "tpu.region"() ({
      %run_scoped3A_56 = tpu.sem_alloc : memref<!tpu.dma_semaphore, #tpu.memory_space<semaphore_mem>>
      %dma_start3A_57 = arith.constant 0 : i32
      %dma_start3A_58 = arith.constant 0 : i32
      %dma_start3A_59 = tpu.memref_slice %arg9[%run_scoped3A, %dma_start3A_57, %dma_start3A_58] : memref<2x128x128xf32, #tpu.memory_space<vmem>> -> memref<1x128x128xf32, #tpu.memory_space<vmem>>
      %dma_start3A_60 = tpu.memref_squeeze %dma_start3A_59 : memref<1x128x128xf32, #tpu.memory_space<vmem>> -> memref<128x128xf32, #tpu.memory_space<vmem>>
      %dma_start3A_61 = arith.constant 0 : i32
      %dma_start3A_62 = tpu.memref_slice %arg8[%run_scoped3A_40, %dma_start3A_61] : memref<40x128xi32, #tpu.memory_space<vmem>> -> memref<1x128xi32, #tpu.memory_space<vmem>>
      %dma_start3A_63 = tpu.memref_squeeze %dma_start3A_62 : memref<1x128xi32, #tpu.memory_space<vmem>> -> memref<128xi32, #tpu.memory_space<vmem>>
      %dma_start3A_64 = arith.constant 0 : i32
      %dma_start3A_65 = arith.constant 0 : i32
      %dma_start3A_66 = tpu.memref_slice %arg10[%dma_start3A_64, %dma_start3A_65] : memref<10240x128xf32, #tpu.memory_space<vmem_shared>> -> memref<10240x128xf32, #tpu.memory_space<vmem_shared>>
      tpu.enqueue_indirect_dma source(%dma_start3A_60 : memref<128x128xf32, #tpu.memory_space<vmem>>) target(%dma_start3A_66 : memref<10240x128xf32, #tpu.memory_space<vmem_shared>>) offsets(%dma_start3A_63 : memref<128xi32, #tpu.memory_space<vmem>>) semaphore(%run_scoped3A_56 : memref<!tpu.dma_semaphore, #tpu.memory_space<semaphore_mem>>) {add = true}
      %dma_wait3A_67 = arith.constant 0 : i32
      %dma_wait3A_68 = arith.constant 0 : i32
      %dma_wait3A_69 = tpu.memref_slice %arg9[%run_scoped3A, %dma_wait3A_67, %dma_wait3A_68] : memref<2x128x128xf32, #tpu.memory_space<vmem>> -> memref<1x128x128xf32, #tpu.memory_space<vmem>>
      %dma_wait3A_70 = tpu.memref_squeeze %dma_wait3A_69 : memref<1x128x128xf32, #tpu.memory_space<vmem>> -> memref<128x128xf32, #tpu.memory_space<vmem>>
      %dma_wait3A_71 = arith.constant 0 : i32
      %dma_wait3A_72 = tpu.memref_slice %arg8[%run_scoped3A_40, %dma_wait3A_71] : memref<40x128xi32, #tpu.memory_space<vmem>> -> memref<1x128xi32, #tpu.memory_space<vmem>>
      %dma_wait3A_73 = tpu.memref_squeeze %dma_wait3A_72 : memref<1x128xi32, #tpu.memory_space<vmem>> -> memref<128xi32, #tpu.memory_space<vmem>>
      %dma_wait3A_74 = arith.constant 0 : i32
      %dma_wait3A_75 = arith.constant 0 : i32
      %dma_wait3A_76 = tpu.memref_slice %arg10[%dma_wait3A_74, %dma_wait3A_75] : memref<10240x128xf32, #tpu.memory_space<vmem_shared>> -> memref<10240x128xf32, #tpu.memory_space<vmem_shared>>
      tpu.wait_indirect_dma semaphore(%run_scoped3A_56 : memref<!tpu.dma_semaphore, #tpu.memory_space<semaphore_mem>>) src(%dma_wait3A_70 : memref<128x128xf32, #tpu.memory_space<vmem>>) dst(%dma_wait3A_76 : memref<10240x128xf32, #tpu.memory_space<vmem_shared>>)
      tpu.yield
    }) : () -> ()
    %dma_wait3A_41 = arith.constant 39 : i32
    %dma_wait3A_42 = arith.constant 1 : i32
    %dma_wait3A_43 = arith.constant 0 : i32
    %dma_wait3A_44 = arith.constant 0 : i32
    %dma_wait3A_45 = tpu.memref_slice %arg9[%dma_wait3A_42, %dma_wait3A_43, %dma_wait3A_44] : memref<2x128x128xf32, #tpu.memory_space<vmem>> -> memref<1x128x128xf32, #tpu.memory_space<vmem>>
    %dma_wait3A_46 = tpu.memref_squeeze %dma_wait3A_45 : memref<1x128x128xf32, #tpu.memory_space<vmem>> -> memref<128x128xf32, #tpu.memory_space<vmem>>
    %dma_wait3A_47 = arith.constant 0 : i32
    %dma_wait3A_48 = tpu.memref_slice %arg7[%dma_wait3A_41, %dma_wait3A_47] : memref<40x128xi32, #tpu.memory_space<vmem>> -> memref<1x128xi32, #tpu.memory_space<vmem>>
    %dma_wait3A_49 = tpu.memref_squeeze %dma_wait3A_48 : memref<1x128xi32, #tpu.memory_space<vmem>> -> memref<128xi32, #tpu.memory_space<vmem>>
    %dma_wait3A_50 = arith.constant 0 : i32
    %dma_wait3A_51 = arith.constant 0 : i32
    %dma_wait3A_52 = tpu.memref_slice %arg2[%dma_wait3A_50, %dma_wait3A_51] : memref<10240x128xf32, #tpu.memory_space<hbm>> -> memref<10240x128xf32, #tpu.memory_space<hbm>>
    tpu.wait_indirect_dma semaphore(%arg12 : memref<!tpu.dma_semaphore, #tpu.memory_space<semaphore_mem>>) src(%dma_wait3A_52 : memref<10240x128xf32, #tpu.memory_space<hbm>>) dst(%dma_wait3A_46 : memref<128x128xf32, #tpu.memory_space<vmem>>)
    %run_scoped3A_53 = arith.constant 1 : i32
    %run_scoped3A_54 = arith.constant 39 : i32
    "tpu.region"() ({
      %run_scoped3A_56 = tpu.sem_alloc : memref<!tpu.dma_semaphore, #tpu.memory_space<semaphore_mem>>
      %dma_start3A_57 = arith.constant 0 : i32
      %dma_start3A_58 = arith.constant 0 : i32
      %dma_start3A_59 = tpu.memref_slice %arg9[%run_scoped3A_53, %dma_start3A_57, %dma_start3A_58] : memref<2x128x128xf32, #tpu.memory_space<vmem>> -> memref<1x128x128xf32, #tpu.memory_space<vmem>>
      %dma_start3A_60 = tpu.memref_squeeze %dma_start3A_59 : memref<1x128x128xf32, #tpu.memory_space<vmem>> -> memref<128x128xf32, #tpu.memory_space<vmem>>
      %dma_start3A_61 = arith.constant 0 : i32
      %dma_start3A_62 = tpu.memref_slice %arg8[%run_scoped3A_54, %dma_start3A_61] : memref<40x128xi32, #tpu.memory_space<vmem>> -> memref<1x128xi32, #tpu.memory_space<vmem>>
      %dma_start3A_63 = tpu.memref_squeeze %dma_start3A_62 : memref<1x128xi32, #tpu.memory_space<vmem>> -> memref<128xi32, #tpu.memory_space<vmem>>
      %dma_start3A_64 = arith.constant 0 : i32
      %dma_start3A_65 = arith.constant 0 : i32
      %dma_start3A_66 = tpu.memref_slice %arg10[%dma_start3A_64, %dma_start3A_65] : memref<10240x128xf32, #tpu.memory_space<vmem_shared>> -> memref<10240x128xf32, #tpu.memory_space<vmem_shared>>
      tpu.enqueue_indirect_dma source(%dma_start3A_60 : memref<128x128xf32, #tpu.memory_space<vmem>>) target(%dma_start3A_66 : memref<10240x128xf32, #tpu.memory_space<vmem_shared>>) offsets(%dma_start3A_63 : memref<128xi32, #tpu.memory_space<vmem>>) semaphore(%run_scoped3A_56 : memref<!tpu.dma_semaphore, #tpu.memory_space<semaphore_mem>>) {add = true}
      %dma_wait3A_67 = arith.constant 0 : i32
      %dma_wait3A_68 = arith.constant 0 : i32
      %dma_wait3A_69 = tpu.memref_slice %arg9[%run_scoped3A_53, %dma_wait3A_67, %dma_wait3A_68] : memref<2x128x128xf32, #tpu.memory_space<vmem>> -> memref<1x128x128xf32, #tpu.memory_space<vmem>>
      %dma_wait3A_70 = tpu.memref_squeeze %dma_wait3A_69 : memref<1x128x128xf32, #tpu.memory_space<vmem>> -> memref<128x128xf32, #tpu.memory_space<vmem>>
      %dma_wait3A_71 = arith.constant 0 : i32
      %dma_wait3A_72 = tpu.memref_slice %arg8[%run_scoped3A_54, %dma_wait3A_71] : memref<40x128xi32, #tpu.memory_space<vmem>> -> memref<1x128xi32, #tpu.memory_space<vmem>>
      %dma_wait3A_73 = tpu.memref_squeeze %dma_wait3A_72 : memref<1x128xi32, #tpu.memory_space<vmem>> -> memref<128xi32, #tpu.memory_space<vmem>>
      %dma_wait3A_74 = arith.constant 0 : i32
      %dma_wait3A_75 = arith.constant 0 : i32
      %dma_wait3A_76 = tpu.memref_slice %arg10[%dma_wait3A_74, %dma_wait3A_75] : memref<10240x128xf32, #tpu.memory_space<vmem_shared>> -> memref<10240x128xf32, #tpu.memory_space<vmem_shared>>
      tpu.wait_indirect_dma semaphore(%run_scoped3A_56 : memref<!tpu.dma_semaphore, #tpu.memory_space<semaphore_mem>>) src(%dma_wait3A_70 : memref<128x128xf32, #tpu.memory_space<vmem>>) dst(%dma_wait3A_76 : memref<10240x128xf32, #tpu.memory_space<vmem_shared>>)
      tpu.yield
    }) : () -> ()
    %barrier3A_55 = arith.constant 0 : index
    tpu.barrier barrier_id(%barrier3A_55)
    "tpu.region"() ({
      %run_scoped3A_56 = tpu.sem_alloc : memref<!tpu.dma_semaphore, #tpu.memory_space<semaphore_mem>>
      %dma_start3A_57 = arith.constant 0 : i32
      %dma_start3A_58 = tpu.memref_slice %arg6[%arg0, %mul3A_0, %dma_start3A_57] : memref<2x10240x128xf32, #tpu.memory_space<hbm>> -> memref<1x640x128xf32, #tpu.memory_space<hbm>>
      %dma_start3A_59 = tpu.memref_squeeze %dma_start3A_58 : memref<1x640x128xf32, #tpu.memory_space<hbm>> -> memref<640x128xf32, #tpu.memory_space<hbm>>
      %dma_start3A_60 = arith.constant 0 : i32
      %dma_start3A_61 = tpu.memref_slice %arg10[%mul3A_0, %dma_start3A_60] : memref<10240x128xf32, #tpu.memory_space<vmem_shared>> -> memref<640x128xf32, #tpu.memory_space<vmem_shared>>
      tpu.enqueue_dma source(%dma_start3A_61 : memref<640x128xf32, #tpu.memory_space<vmem_shared>>) target(%dma_start3A_59 : memref<640x128xf32, #tpu.memory_space<hbm>>) target_semaphore(%run_scoped3A_56 : memref<!tpu.dma_semaphore, #tpu.memory_space<semaphore_mem>>)
      %dma_wait3A_62 = arith.constant 0 : i32
      %dma_wait3A_63 = tpu.memref_slice %arg6[%arg0, %mul3A_0, %dma_wait3A_62] : memref<2x10240x128xf32, #tpu.memory_space<hbm>> -> memref<1x640x128xf32, #tpu.memory_space<hbm>>
      %dma_wait3A_64 = tpu.memref_squeeze %dma_wait3A_63 : memref<1x640x128xf32, #tpu.memory_space<hbm>> -> memref<640x128xf32, #tpu.memory_space<hbm>>
      %dma_wait3A_65 = arith.constant 0 : i32
      %dma_wait3A_66 = tpu.memref_slice %arg10[%mul3A_0, %dma_wait3A_65] : memref<10240x128xf32, #tpu.memory_space<vmem_shared>> -> memref<640x128xf32, #tpu.memory_space<vmem_shared>>
      tpu.wait_dma2 semaphore(%run_scoped3A_56 : memref<!tpu.dma_semaphore, #tpu.memory_space<semaphore_mem>>) src(%dma_wait3A_66 : memref<640x128xf32, #tpu.memory_space<vmem_shared>>) dst(%dma_wait3A_64 : memref<640x128xf32, #tpu.memory_space<hbm>>)
      tpu.yield
    }) : () -> ()
    return
  }
}

module attributes {stable_mosaic.version = 14 : i64} {
  func.func @_prologue_body(%arg0: i32, %arg1: memref<2048x256xf32, #tpu.memory_space<vmem>>, %arg2: memref<256x128xf32, #tpu.memory_space<vmem>>, %arg3: memref<1x128xf32, #tpu.memory_space<vmem>>, %arg4: memref<2048x128xf32, #tpu.memory_space<vmem>>, %arg5: memref<2x2048x128xf32, #tpu.memory_space<vmem>>) attributes {dimension_semantics = [#tpu.dimension_semantics<arbitrary>], iteration_bounds = array<i64: 5>, scalar_prefetch = 0 : i64, scratch_operands = 0 : i64, tpu.core_type = #tpu.core_type<tc>, window_params = [{transform_indices = @transform_0, window_bounds = array<i64: 2048, 256>}, {pipeline_mode = #tpu.pipeline_mode<synchronous>, transform_indices = @transform_1, window_bounds = array<i64: 256, 128>}, {pipeline_mode = #tpu.pipeline_mode<synchronous>, transform_indices = @transform_2, window_bounds = array<i64: 1, 128>}, {transform_indices = @transform_3, window_bounds = array<i64: 2048, 128>}, {transform_indices = @transform_4, window_bounds = array<i64: 2, 2048, 128>}]} {
    %get3A = arith.constant 0 : index
    %get3A_0 = arith.constant 0 : index
    %get3A_1 = vector.load %arg1[%get3A, %get3A_0] : memref<2048x256xf32, #tpu.memory_space<vmem>>, vector<2048x256xf32>
    %get3A_2 = arith.constant 0 : index
    %get3A_3 = arith.constant 0 : index
    %get3A_4 = vector.load %arg2[%get3A_2, %get3A_3] : memref<256x128xf32, #tpu.memory_space<vmem>>, vector<256x128xf32>
    %dot_general3A = arith.constant dense<0.000000e+00> : vector<2048x128xf32>
    %dot_general3A_5 = tpu.matmul %get3A_1, %get3A_4, %dot_general3A {dimension_numbers = #tpu.dot_dimension_numbers<[1], [0], [0], [1], [0, 0, 1, 1], [], []>, transpose_lhs_hint = false} : vector<2048x256xf32>, vector<256x128xf32>, vector<2048x128xf32> -> vector<2048x128xf32>
    %get3A_6 = arith.constant 0 : index
    %get3A_7 = arith.constant 0 : index
    %get3A_8 = vector.load %arg3[%get3A_6, %get3A_7] : memref<1x128xf32, #tpu.memory_space<vmem>>, vector<1x128xf32>
    %get3A_9 = vector.shape_cast %get3A_8 : vector<1x128xf32> to vector<128xf32>
    %broadcast_in_dim3A = vector.shape_cast %get3A_9 : vector<128xf32> to vector<1x128xf32>
    %add3A = vector.broadcast %broadcast_in_dim3A : vector<1x128xf32> to vector<2048x128xf32>
    %add3A_10 = arith.addf %dot_general3A_5, %add3A : vector<2048x128xf32>
    %max3A = arith.constant 0.000000e+00 : f32
    %max3A_11 = vector.broadcast %max3A : f32 to vector<2048x128xf32>
    %max3A_12 = arith.maximumf %add3A_10, %max3A_11 : vector<2048x128xf32>
    %swap3A = arith.constant 0 : index
    %swap3A_13 = arith.constant 0 : index
    %swap3A_14 = vector.load %arg4[%swap3A, %swap3A_13] : memref<2048x128xf32, #tpu.memory_space<vmem>>, vector<2048x128xf32>
    tpu.vector_store %arg4[%swap3A, %swap3A_13], %max3A_12 {strides = array<i32>} : memref<2048x128xf32, #tpu.memory_space<vmem>>, vector<2048x128xf32>,
    %mul3A = arith.constant 1.000000e-01 : f32
    %mul3A_15 = vector.broadcast %mul3A : f32 to vector<2048x128xf32>
    %mul3A_16 = arith.mulf %mul3A_15, %max3A_12 : vector<2048x128xf32>
    %swap3A_17 = arith.constant 0 : index
    %swap3A_18 = arith.constant 0 : index
    %swap3A_19 = arith.constant 0 : index
    %swap3A_20 = vector.load %arg5[%swap3A_17, %swap3A_18, %swap3A_19] : memref<2x2048x128xf32, #tpu.memory_space<vmem>>, vector<1x2048x128xf32>
    %swap3A_21 = vector.shape_cast %swap3A_20 : vector<1x2048x128xf32> to vector<2048x128xf32>
    %swap3A_22 = vector.shape_cast %mul3A_16 : vector<2048x128xf32> to vector<1x2048x128xf32>
    tpu.vector_store %arg5[%swap3A_17, %swap3A_18, %swap3A_19], %swap3A_22 {strides = array<i32>} : memref<2x2048x128xf32, #tpu.memory_space<vmem>>, vector<1x2048x128xf32>,
    %broadcast_in_dim3A_23 = arith.constant 0.000000e+00 : f32
    %broadcast_in_dim3A_24 = vector.broadcast %broadcast_in_dim3A_23 : f32 to vector<2048x128xf32>
    %swap3A_25 = arith.constant 1 : index
    %swap3A_26 = arith.constant 0 : index
    %swap3A_27 = arith.constant 0 : index
    %swap3A_28 = vector.load %arg5[%swap3A_25, %swap3A_26, %swap3A_27] : memref<2x2048x128xf32, #tpu.memory_space<vmem>>, vector<1x2048x128xf32>
    %swap3A_29 = vector.shape_cast %swap3A_28 : vector<1x2048x128xf32> to vector<2048x128xf32>
    %swap3A_30 = vector.shape_cast %broadcast_in_dim3A_24 : vector<2048x128xf32> to vector<1x2048x128xf32>
    tpu.vector_store %arg5[%swap3A_25, %swap3A_26, %swap3A_27], %swap3A_30 {strides = array<i32>} : memref<2x2048x128xf32, #tpu.memory_space<vmem>>, vector<1x2048x128xf32>,
    return
  }
  func.func @transform_0(%arg0: i32) -> (i32, i32) {
    %c0_i32 = arith.constant 0 : i32
    %c0_i32_0 = arith.constant 0 : i32
    return %arg0, %c0_i32 : i32, i32
  }
  func.func @transform_1(%arg0: i32) -> (i32, i32) {
    %c0_i32 = arith.constant 0 : i32
    %c0_i32_0 = arith.constant 0 : i32
    %c0_i32_1 = arith.constant 0 : i32
    return %c0_i32, %c0_i32_0 : i32, i32
  }
  func.func @transform_2(%arg0: i32) -> (i32, i32) {
    %c0_i32 = arith.constant 0 : i32
    %c0_i32_0 = arith.constant 0 : i32
    %c0_i32_1 = arith.constant 0 : i32
    return %c0_i32, %c0_i32_0 : i32, i32
  }
  func.func @transform_3(%arg0: i32) -> (i32, i32) {
    %c0_i32 = arith.constant 0 : i32
    %c0_i32_0 = arith.constant 0 : i32
    return %arg0, %c0_i32 : i32, i32
  }
  func.func @transform_4(%arg0: i32) -> (i32, i32, i32) {
    %c0_i32 = arith.constant 0 : i32
    %c0_i32_0 = arith.constant 0 : i32
    %c0_i32_1 = arith.constant 0 : i32
    return %c0_i32, %arg0, %c0_i32_0 : i32, i32, i32
  }
}

module attributes {stable_mosaic.version = 14 : i64} {
  func.func @_combine_body(%arg0: i32, %arg1: memref<2x2048x128xf32, #tpu.memory_space<vmem>>, %arg2: memref<2048x128xf32, #tpu.memory_space<vmem>>) attributes {dimension_semantics = [#tpu.dimension_semantics<arbitrary>], iteration_bounds = array<i64: 5>, scalar_prefetch = 0 : i64, scratch_operands = 0 : i64, tpu.core_type = #tpu.core_type<tc>, window_params = [{transform_indices = @transform_0, window_bounds = array<i64: 2, 2048, 128>}, {transform_indices = @transform_1, window_bounds = array<i64: 2048, 128>}]} {
    %get3A = arith.constant 0 : index
    %get3A_0 = arith.constant 0 : index
    %get3A_1 = arith.constant 0 : index
    %get3A_2 = vector.load %arg1[%get3A, %get3A_0, %get3A_1] : memref<2x2048x128xf32, #tpu.memory_space<vmem>>, vector<1x2048x128xf32>
    %get3A_3 = vector.shape_cast %get3A_2 : vector<1x2048x128xf32> to vector<2048x128xf32>
    %get3A_4 = arith.constant 1 : index
    %get3A_5 = arith.constant 0 : index
    %get3A_6 = arith.constant 0 : index
    %get3A_7 = vector.load %arg1[%get3A_4, %get3A_5, %get3A_6] : memref<2x2048x128xf32, #tpu.memory_space<vmem>>, vector<1x2048x128xf32>
    %get3A_8 = vector.shape_cast %get3A_7 : vector<1x2048x128xf32> to vector<2048x128xf32>
    %add3A = arith.addf %get3A_3, %get3A_8 : vector<2048x128xf32>
    %swap3A = arith.constant 0 : index
    %swap3A_9 = arith.constant 0 : index
    %swap3A_10 = vector.load %arg2[%swap3A, %swap3A_9] : memref<2048x128xf32, #tpu.memory_space<vmem>>, vector<2048x128xf32>
    tpu.vector_store %arg2[%swap3A, %swap3A_9], %add3A {strides = array<i32>} : memref<2048x128xf32, #tpu.memory_space<vmem>>, vector<2048x128xf32>,
    return
  }
  func.func @transform_0(%arg0: i32) -> (i32, i32, i32) {
    %c0_i32 = arith.constant 0 : i32
    %c0_i32_0 = arith.constant 0 : i32
    %c0_i32_1 = arith.constant 0 : i32
    return %c0_i32, %arg0, %c0_i32_0 : i32, i32, i32
  }
  func.func @transform_1(%arg0: i32) -> (i32, i32) {
    %c0_i32 = arith.constant 0 : i32
    %c0_i32_0 = arith.constant 0 : i32
    return %arg0, %c0_i32 : i32, i32
  }
}

module attributes {stable_mosaic.version = 14 : i64} {
  func.func @_final_body(%arg0: i32, %arg1: memref<2x2048x128xf32, #tpu.memory_space<vmem>>, %arg2: memref<128x64xf32, #tpu.memory_space<vmem>>, %arg3: memref<1x64xf32, #tpu.memory_space<vmem>>, %arg4: memref<2048x64xf32, #tpu.memory_space<vmem>>) attributes {dimension_semantics = [#tpu.dimension_semantics<arbitrary>], iteration_bounds = array<i64: 5>, scalar_prefetch = 0 : i64, scratch_operands = 0 : i64, tpu.core_type = #tpu.core_type<tc>, window_params = [{transform_indices = @transform_0, window_bounds = array<i64: 2, 2048, 128>}, {pipeline_mode = #tpu.pipeline_mode<synchronous>, transform_indices = @transform_1, window_bounds = array<i64: 128, 64>}, {pipeline_mode = #tpu.pipeline_mode<synchronous>, transform_indices = @transform_2, window_bounds = array<i64: 1, 64>}, {transform_indices = @transform_3, window_bounds = array<i64: 2048, 64>}]} {
    %get3A = arith.constant 0 : index
    %get3A_0 = arith.constant 0 : index
    %get3A_1 = arith.constant 0 : index
    %get3A_2 = vector.load %arg1[%get3A, %get3A_0, %get3A_1] : memref<2x2048x128xf32, #tpu.memory_space<vmem>>, vector<1x2048x128xf32>
    %get3A_3 = vector.shape_cast %get3A_2 : vector<1x2048x128xf32> to vector<2048x128xf32>
    %get3A_4 = arith.constant 1 : index
    %get3A_5 = arith.constant 0 : index
    %get3A_6 = arith.constant 0 : index
    %get3A_7 = vector.load %arg1[%get3A_4, %get3A_5, %get3A_6] : memref<2x2048x128xf32, #tpu.memory_space<vmem>>, vector<1x2048x128xf32>
    %get3A_8 = vector.shape_cast %get3A_7 : vector<1x2048x128xf32> to vector<2048x128xf32>
    %add3A = arith.addf %get3A_3, %get3A_8 : vector<2048x128xf32>
    %get3A_9 = arith.constant 0 : index
    %get3A_10 = arith.constant 0 : index
    %get3A_11 = vector.load %arg2[%get3A_9, %get3A_10] : memref<128x64xf32, #tpu.memory_space<vmem>>, vector<128x64xf32>
    %dot_general3A = arith.constant dense<0.000000e+00> : vector<2048x64xf32>
    %dot_general3A_12 = tpu.matmul %add3A, %get3A_11, %dot_general3A {dimension_numbers = #tpu.dot_dimension_numbers<[1], [0], [0], [1], [0, 0, 1, 1], [], []>, transpose_lhs_hint = false} : vector<2048x128xf32>, vector<128x64xf32>, vector<2048x64xf32> -> vector<2048x64xf32>
    %get3A_13 = arith.constant 0 : index
    %get3A_14 = arith.constant 0 : index
    %get3A_15 = vector.load %arg3[%get3A_13, %get3A_14] : memref<1x64xf32, #tpu.memory_space<vmem>>, vector<1x64xf32>
    %get3A_16 = vector.shape_cast %get3A_15 : vector<1x64xf32> to vector<64xf32>
    %broadcast_in_dim3A = vector.shape_cast %get3A_16 : vector<64xf32> to vector<1x64xf32>
    %add3A_17 = vector.broadcast %broadcast_in_dim3A : vector<1x64xf32> to vector<2048x64xf32>
    %add3A_18 = arith.addf %dot_general3A_12, %add3A_17 : vector<2048x64xf32>
    %reduce_max3A = arith.constant dense<0xFF800000> : vector<2048xf32>
    %reduce_max3A_19 = vector.multi_reduction <maximumf>, %add3A_18, %reduce_max3A [1] : vector<2048x64xf32> to vector<2048xf32>
    %broadcast_in_dim3A_20 = vector.shape_cast %reduce_max3A_19 : vector<2048xf32> to vector<2048x1xf32>
    %sub3A = vector.broadcast %broadcast_in_dim3A_20 : vector<2048x1xf32> to vector<2048x64xf32>
    %sub3A_21 = arith.subf %add3A_18, %sub3A : vector<2048x64xf32>
    %exp3A = math.exp %sub3A_21 : vector<2048x64xf32>
    %reduce_sum3A = arith.constant dense<0.000000e+00> : vector<2048xf32>
    %reduce_sum3A_22 = vector.multi_reduction <add>, %exp3A, %reduce_sum3A [1] : vector<2048x64xf32> to vector<2048xf32>
    %broadcast_in_dim3A_23 = vector.shape_cast %reduce_sum3A_22 : vector<2048xf32> to vector<2048x1xf32>
    %log3A = math.log %broadcast_in_dim3A_23 : vector<2048x1xf32>
    %add3A_24 = arith.addf %log3A, %broadcast_in_dim3A_20 : vector<2048x1xf32>
    %sub3A_25 = vector.broadcast %add3A_24 : vector<2048x1xf32> to vector<2048x64xf32>
    %sub3A_26 = arith.subf %add3A_18, %sub3A_25 : vector<2048x64xf32>
    %swap3A = arith.constant 0 : index
    %swap3A_27 = arith.constant 0 : index
    %swap3A_28 = vector.load %arg4[%swap3A, %swap3A_27] : memref<2048x64xf32, #tpu.memory_space<vmem>>, vector<2048x64xf32>
    tpu.vector_store %arg4[%swap3A, %swap3A_27], %sub3A_26 {strides = array<i32>} : memref<2048x64xf32, #tpu.memory_space<vmem>>, vector<2048x64xf32>,
    return
  }
  func.func @transform_0(%arg0: i32) -> (i32, i32, i32) {
    %c0_i32 = arith.constant 0 : i32
    %c0_i32_0 = arith.constant 0 : i32
    %c0_i32_1 = arith.constant 0 : i32
    return %c0_i32, %arg0, %c0_i32_0 : i32, i32, i32
  }
  func.func @transform_1(%arg0: i32) -> (i32, i32) {
    %c0_i32 = arith.constant 0 : i32
    %c0_i32_0 = arith.constant 0 : i32
    %c0_i32_1 = arith.constant 0 : i32
    return %c0_i32, %c0_i32_0 : i32, i32
  }
  func.func @transform_2(%arg0: i32) -> (i32, i32) {
    %c0_i32 = arith.constant 0 : i32
    %c0_i32_0 = arith.constant 0 : i32
    %c0_i32_1 = arith.constant 0 : i32
    return %c0_i32, %c0_i32_0 : i32, i32
  }
  func.func @transform_3(%arg0: i32) -> (i32, i32) {
    %c0_i32 = arith.constant 0 : i32
    %c0_i32_0 = arith.constant 0 : i32
    return %arg0, %c0_i32 : i32, i32
  }
}

</mosaic_0001>

<sc_bundles>
// kernel: kernel.10.cloned.1.call-start
scs
__scs_entry_jumppad:
0x0: {  	(pc) =	sbr.rel $0x88, $3  }
0x1: {  	(tag) =	ssettag $0x0;
	lr =	simm.s32 $0x1  }
0x2: {  	[smem:$0x3F9B] =	sst lr;
	_ =	strace $0xD0000000  }
0x3: {  	_ = 	snop  }
0x4: {  	_ = 	snop  }
0x5: {  	_ = 	snop  }
0x6: {  	_ = 	snop  }
0x7: {  	_ = 	snop  }
__scs_overlays_trampoline_lowered:
0x8: {  	[smem:$0x3FAA] =	sst s0  }
0x9: {  	[smem:$0x3FAB] =	sst s1  }
0xa: {  	[smem:$0x3FAC] =	sst s2  }
0xb: {  	[smem:$0x3FAD] =	sst s3  }
0xc: {  	[smem:$0x3FAE] =	sst s4  }
0xd: {  	[smem:$0x3FAF] =	sst s5  }
0xe: {  	[smem:$0x3FB0] =	sst s6  }
0xf: {  	[smem:$0x3FB1] =	sst s7  }
0x10: {  	[smem:$0x3FB2] =	sst s8  }
0x11: {  	[smem:$0x3FB3] =	sst s9;
	s0 =	simm.s32 @!p0 $0x0  }
0x12: {  	s1 =	sld [smem:$0x3F99];
	s0 =	simm.s32 @p0 $0x1  }
0x13: {  	[smem:$0x3FB4] =	sst s0;
	s0 =	simm.s32 @!p1 $0x0  }
0x14: {  	s2 =	sld [smem:$0x3F98];
	s0 =	simm.s32 @p1 $0x1  }
0x15: {  	[smem:$0x3FB5] =	sst s0;
	s0 =	simm.s32 @!p2 $0x0  }
0x16: {  	s3 =	sld [smem:$0x3FDB];
	s0 =	simm.s32 @p2 $0x1  }
0x17: {  	s4 =	simm.s32 $0x1BF5;
	[smem:$0x3FB7] =	sst s0  }
0x18: {  	s0 =	sld [smem:$0x3F9A];
	_ =	swait.ge [sflag:s4], $0x0  }
0x19: {  	s7 =	sld [smem:$0x3F9B]  }
0x1a: {  	s8 =	sadd.s32 $0xFFFFE003, lr  }
0x1b: {  	s9 =	sadd.s32 $0xFFFFFEF7, lr;
	s5 =	simm.s32 $0xFFFFFFFF;
	p2 =	slt.u32 s8, $0xFFFFF086  }
0x1c: {  	p1 =	slt.u32 s9, $0xF7A;
	s5 =	simm.s32 @!p2 $0x0  }
0x1d: {  	s5 =	simm.s32 @p1 $0x1;
	p0 =	seq.s32 s7, s2  }
0x1e: {  	s7 =	smul.u32 @!p0 $0xF7A, s2;
	p2 =	seq.s32 @!p0 s5, $0x0  }
0x1f: {  	s9 =	smul.u32 $0xF7A, s1;
	s8 =	simm.s32 @!p0 $0x1BF5;
	p2 =	por !p2, p0  }
0x20: {  	[sflag:s8] =	ssyncset.s32 @!p0 $0xFFFFF086;
	s6 =	sadd.s32 @!p0 s3, s7;
	s7 =	simm.s32 @!p0 $0x108  }
0x21: {  	s3 =	sadd.s32 s3, s9;
	s6 =	sadd.s32 @!p0 $0x88, s6;
	s7 =	simm.s32 @p2 $0x1082  }
0x22: {  	[simem:s7], [sflag:s8] =	dma.local @!p0 [hbm:s6], $0xF7A  }
0x23: {  	s9 =	sor.u32 $0xD0000000, s2;
	s6 =	simm.s32 $0x108;
	_ =	swait.ge @!p0 [sflag:s8], $0x0  }
0x24: {  	s3 =	sadd.s32 $0x88, s3;
	s6 =	simm.s32 @!p1 $0x1082;
	[sflag:s4] =	ssyncset.s32 $0xFFFFF086  }
0x25: {  	[simem:s6], [sflag:s4] =	dma.local [hbm:s3], $0xF7A  }
0x26: {  	[smem:$0x3F9B] =	sst s1;
	(tag) =	ssettag s2;
	_ =	strace s9  }
0x27: {  	s1 =	sld [smem:$0x3FAB]  }
0x28: {  	s2 =	sld [smem:$0x3FAC]  }
0x29: {  	s4 =	sld [smem:$0x3FAE]  }
0x2a: {  	p0 =	seq.s32 s5, $0x0;
	s5 =	sld [smem:$0x3FAF]  }
0x2b: {  	s6 =	sld [smem:$0x3FB0]  }
0x2c: {  	s7 =	sld [smem:$0x3FB1]  }
0x2d: {  	s3 =	simm.s32 $0x108;
	s8 =	sld [smem:$0x3FB2]  }
0x2e: {  	s3 =	simm.s32 @!p0 $0x1082;
	s9 =	sld [smem:$0x3FB3]  }
0x2f: {  	lr =	sadd.s32 s0, s3;
	s0 =	sld [smem:$0x3FAA]  }
0x30: {  	s3 =	sld [smem:$0x3FAD]  }
0x31: {  	[smem:$0x3FB6] =	sst s10  }
0x32: {  	s10 =	sld [smem:$0x3FB4];
	_ =	sdelay $0x3  }
0x33: {  	p0 =	seq.s32 s10, $0x1;
	s10 =	sld [smem:$0x3FB6];
	_ =	sdelay $0x3  }
0x34: {  	[smem:$0x3FB6] =	sst s10  }
0x35: {  	s10 =	sld [smem:$0x3FB5];
	_ =	sdelay $0x3  }
0x36: {  	p1 =	seq.s32 s10, $0x1;
	s10 =	sld [smem:$0x3FB6];
	_ =	sdelay $0x3  }
0x37: {  	[smem:$0x3FB6] =	sst s10  }
0x38: {  	s10 =	sld [smem:$0x3FB7]  }
0x39: {  	_ = 	snop;
	(pc) =	sbr.ind lr, $3  }
0x3a: {  	_ = 	snop  }
0x3b: {  	_ = 	snop  }
0x3c: {  	p2 =	seq.s32 s10, $0x1;
	s10 =	sld [smem:$0x3FB6]  }
0x3d: {  	_ =	shalt  }
0x3e: {  	_ =	shalt  }
0x3f: {  	_ =	shalt  }
0x40: {  	_ =	shalt  }
0x41: {  	_ =	shalt  }
0x42: {  	_ =	shalt  }
0x43: {  	_ =	shalt  }
0x44: {  	_ =	shalt  }
0x45: {  	_ =	shalt  }
0x46: {  	_ =	shalt  }
0x47: {  	_ =	shalt  }
0x48: {  	_ =	shalt  }
0x49: {  	_ =	shalt  }
0x4a: {  	_ =	shalt  }
0x4b: {  	_ =	shalt  }
0x4c: {  	_ =	shalt  }
0x4d: {  	_ =	shalt  }
0x4e: {  	_ =	shalt  }
0x4f: {  	_ =	shalt  }
0x50: {  	_ =	shalt  }
0x51: {  	_ =	shalt  }
0x52: {  	_ =	shalt  }
0x53: {  	_ =	shalt  }
0x54: {  	_ =	shalt  }
0x55: {  	_ =	shalt  }
0x56: {  	_ =	shalt  }
0x57: {  	_ =	shalt  }
0x58: {  	_ =	shalt  }
0x59: {  	_ =	shalt  }
0x5a: {  	_ =	shalt  }
0x5b: {  	_ =	shalt  }
0x5c: {  	_ =	shalt  }
0x5d: {  	_ =	shalt  }
0x5e: {  	_ =	shalt  }
0x5f: {  	_ =	shalt  }
0x60: {  	_ =	shalt  }
0x61: {  	_ =	shalt  }
0x62: {  	_ =	shalt  }
0x63: {  	_ =	shalt  }
0x64: {  	_ =	shalt  }
0x65: {  	_ =	shalt  }
0x66: {  	_ =	shalt  }
0x67: {  	_ =	shalt  }
0x68: {  	_ =	shalt  }
0x69: {  	_ =	shalt  }
0x6a: {  	_ =	shalt  }
0x6b: {  	_ =	shalt  }
0x6c: {  	_ =	shalt  }
0x6d: {  	_ =	shalt  }
0x6e: {  	_ =	shalt  }
0x6f: {  	_ =	shalt  }
0x70: {  	_ =	shalt  }
0x71: {  	_ =	shalt  }
0x72: {  	_ =	shalt  }
0x73: {  	_ =	shalt  }
0x74: {  	_ =	shalt  }
0x75: {  	_ =	shalt  }
0x76: {  	_ =	shalt  }
0x77: {  	_ =	shalt  }
0x78: {  	_ =	shalt  }
0x79: {  	_ =	shalt  }
0x7a: {  	_ =	shalt  }
0x7b: {  	_ =	shalt  }
0x7c: {  	_ =	shalt  }
0x7d: {  	_ =	shalt  }
0x7e: {  	_ =	shalt  }
0x7f: {  	_ =	shalt  }
0x80: {  	_ =	shalt  }
0x81: {  	_ =	shalt  }
0x82: {  	_ =	shalt  }
0x83: {  	_ =	shalt  }
0x84: {  	_ =	shalt  }
0x85: {  	_ =	shalt  }
0x86: {  	_ =	shalt  }
0x87: {  	_ =	shalt  }
.Lfunc_end0:
.L_simem_size_0:
called_computation.1_lowered:
.L_overlay_start_0:
0x88: {  	s2 =	sld [smem:$0x3FD9]  }
0x89: {  	s3 =	sld [smem:$0x3FFE];
	_ =	sdelay $0x1  }
0x8a: {  	s1 =	srdreg.scid  }
0x8b: {  	s0 =	sand.u32 $0x1, s1  }
0x8c: {  	s17 =	sshll.u32 s0, $0xA;
	s2 =	sadd.s32 s3, s2  }
0x8d: {  	s2 =	sadd.s32 s2, s17  }
0x8e: {  	[smem:$0x3FC2] =	sst s2  }
0x8f: {  	_ = 	snop  }
0x90: {  	s2 =	sld [smem:$0x3FD0];
	(tm) =	ssettm $0x1  }
0x91: {  	s18 =	sld [smem:$0x3FFB];
	_ =	sdelay $0x3  }
0x92: {  	_ =	strace s18  }
0x93: {  	s3 =	sld [smem:$0x3FFC];
	_ =	sdelay $0x3  }
0x94: {  	_ =	strace s3  }
0x95: {  	s3 =	sld [smem:$0x3FFD];
	_ =	sdelay $0x3  }
0x96: {  	_ =	strace s3  }
0x97: {  	_ =	strace $0x8FFFFFFF  }
0x98: {  	s19 =	sld [smem:$0x3FDB];
	_ =	sdelay $0x1  }
0x99: {  	s4 =	simm.s32 $_scs_section_size  }
0x9a: {  	s5 =	simm.s32 $_size__tile_overlayer_lowered;
	s6 =	simm.s32 $_tile_overlayer_lowered  }
0x9b: {  	s22 =	simm.s32 $0x1BFF;
	s21 =	sshll.u32 s6, $0x1;
	s3 =	sadd.s32 s4, s19  }
0x9c: {  	s7 =	simm.s32 $0x0;
	s20 =	sshll.u32 s5, $0x1;
	s5 =	sadd.s32 s21, s3  }
0x9d: {  	[timem:s7], [sflag:s22] =	dma.local [hbm:s5], s20  }
0x9e: {  	_ =	swait.ge [sflag:s22], s20  }
0x9f: {  	s4 =	ssub.s32 $0x0, s20;
	[sflag:s22] =	ssyncset.done $0x0  }
0xa0: {  	[sflag:s22] =	ssyncadd.s32 s4;
	_ =	sdelay $0x1  }
0xa1: {  	s23 =	simm.s32 $0x1B8B  }
0xa2: {  	_ =	swait.ge [sflag:s23], $0x1  }
0xa3: {  	[sflag:s23] =	ssyncset.done $0x0  }
0xa4: {  	s25 =	simm.s32 $0x1B8E;
	s24 =	sld [smem:$0x3FFE];
	[sflag:s23] =	ssyncadd.s32 $0xFFFFFFFF  }
0xa5: {  	s26 =	simm.s32 $execute0_lowered;
	[smem:$0x3FD2] =	sst s25  }
0xa6: {  	s5 =	sshll.u32 s26, $0x1;
	_ =	strace $0x80000049;
	[dreg:$0x1] =	wrdreg $0xFFFFFFFF  }
0xa7: {  	s28 =	simm.s32 $_size_execute0_lowered;
	s3 =	sadd.s32 s3, s5;
	[dreg:$0x0] =	wrdreg $0x0  }
0xa8: {  	s5 =	sshll.u32 s28, $0x1;
	[dreg:$0x2] =	wrdreg s3  }
0xa9: {  	[dreg:$0x3] =	wrdreg s5  }
0xaa: {  	[dreg:$0x4] =	wrdreg $0xC0  }
0xab: {  	_ =	task [dreg:s7], $0x5FFFF  }
0xac: {  	[dreg:$0x1] =	wrdreg $0xFFFFFFFF  }
0xad: {  	[dreg:$0x0] =	wrdreg $0x60  }
0xae: {  	[dreg:$0x2] =	wrdreg s24  }
0xaf: {  	[dreg:$0x3] =	wrdreg s2  }
0xb0: {  	[dreg:$0x4] =	wrdreg $0xA8000  }
0xb1: {  	[dreg:$0x5] =	wrdreg $0x9  }
0xb2: {  	_ =	task.clear_ibuf [dreg:s7], $0x6FFFF;
	_ =	strace $0x90000049  }
0xb3: {  	s29 =	simm.s32 $0x9;
	_ =	strace $0x8000004B  }
0xb4: {  	_ =	swait.ge [sflag:s29], $0x1  }
0xb5: {  	[sflag:s29] =	ssyncadd.s32 $0xFFFFFFFF  }
0xb6: {  	_ =	strace $0x9000004B  }
0xb7: {  	_ =	sfence  }
0xb8: {  	s30 =	sld [smem:$0x0];
	_ =	sdelay $0x2  }
0xb9: {  	s31 =	sshll.u32 s1, $0xD;
	s1 =	sshrl.u32 s1, $0x2  }
0xba: {  	s3 =	sand.u32 $0x4000, s31;
	s1 =	sadd.s32 s1, s30  }
0xbb: {  	s0 =	sor.u32 s3, s0;
	s1 =	sshll.u32 s1, $0x11  }
0xbc: {  	s0 =	sor.u32 s1, s0  }
0xbd: {  	s0 =	sadd.s32 $0x8F2B, s0  }
0xbe: {  	[sflag:s0] =	ssyncadd.remote.s32 $0x1  }
0xbf: {  	_ =	sfence.sel $0xFFFF  }
0xc0: {  	[dreg:$0x0] =	wrdreg $0xFFFFFFFF;
	(pc) =	sbr.abs _section_cstart, $3  }
0xc1: {  	[dreg:$0x1] =	wrdreg $0xFFFFFFFF  }
0xc2: {  	_ =	task.clear_ibuf [dreg:s7], $0x2FFFF;
	_ =	strace $0x9FFFFFFF  }
0xc3: {  	(tm) =	ssettm $0x7FFFFFFF  }
tec
execute0_lowered:
.L_overlay_start_1:
0x0: {  	(tag) =	ssettag $0x1  }
0x1: {  	s5 =	rddreg [dreg:$0x0]  }
0x2: {  	s7 =	rddreg [dreg:$0x1]  }
0x3: {  	s2 =	rddreg [dreg:$0x2]  }
0x4: {  	s0 =	srdreg.scid;
	s1 =	rddreg [dreg:$0x3];
	s3 =	simm.s32 $0x0  }
0x5: {  	s14 =	simm.s32 $0x80;
	s15 =	simm.s32 $0x2800;
	s6 =	sand.u32 $0x1, s0  }
0x6: {  	s16 =	simm.s32 $0x6800;
	s0 =	stileid.u32;
	s4 =	smul.u32 $0x14000, s6  }
0x7: {  	s17 =	simm.s32 $0x1;
	s18 =	simm.s32 $0x2;
	s8 =	smul.u32 $0x1400, s0  }
0x8: {  	s19 =	simm.s32 $0x2700;
	s20 =	simm.s32 $0x2780;
	s9 =	smul.u32 $0x140000, s6  }
0x9: {  	s21 =	simm.s32 $0x0;
	[smem:$0x7FF] =	sst s3;
	s10 =	smul.u32 $0x14000, s0  }
0xa: {  	_ =	strace $0x8000004A;
	s6 =	ssub.s32 $0x2, s6;
	s28 =	smul.u32 $0x50000, s0  }
0xb: {  	s31 =	sshll.u32 s0, $0x6;
	s29 =	sshrl.u32 s6, $0x1;
	s8 =	sadd.s32 s8, s4  }
0xc: {  	s4 =	sadd.s32 $0x56400, s5;
	s9 =	sadd.s32 s10, s9;
	s12 =	ssub.s32 s6, s29  }
0xd: {  	s30 =	sshrl.u32 s28, $0x2;
	s6 =	sor.u32 $0x1C03, s31;
	s8 =	sshrl.u32 s8, $0x3  }
0xe: {  	s9 =	sshrl.u32 s9, $0x3;
	s13 =	sadd.s32 s30, s2;
	s10 =	smax.u32 s12, $0x1  }
0xf: {  	s12 =	simm.s32 $0x3;
	s11 =	sadd.s32 s8, s5;
	s9 =	sadd.s32 s9, s5  }
0x10: {  	s7 =	sadd.s32 s7, s8;
	s5 =	sadd.s32 $0x1400, s9;
	s8 =	sadd.s32 $0x51400, s11  }
0x11: {  	s9 =	sadd.s32 $0x7E400, s9;
	s11 =	sshrl.u32 s13, $0x3;
	s13 =	simm.s32 $0x1400  }
.LBB2_1:
0x12: {  	[spmem:s11], [sflag:s6] =	dma.local [hbm:s5], $0x2800  }
0x13: {  	_ =	swait.ge [sflag:s12], $0x2800  }
0x14: {  	[sflag:s12] =	ssyncset.done $0x0  }
0x15: {  	[sflag:s12] =	ssyncadd.s32 $0xFFFFD800  }
0x16: {  	[tilespmem:s3], [sflag:$0x3] =	stream.linear.gather [hbm4b:s7+s3], $0x1400, $0x38;
	[tilespmem:$0x1E800] =	vst v63  }
0x17: {  	_ =	swait.ge [sflag:s12], $0x1400  }
0x18: {  	[sflag:s12] =	ssyncset.done $0x0  }
0x19: {  	[sflag:s12] =	ssyncadd.s32 $0xFFFFEC00  }
0x1a: {  	[tilespmem:s13], [sflag:$0x3] =	stream.linear.gather [hbm4b:s8+s3], $0x1400, $0x38;
	[tilespmem:$0x1E800] =	vst v63  }
0x1b: {  	_ =	swait.ge [sflag:s12], $0x1400  }
0x1c: {  	[sflag:s12] =	ssyncset.done $0x0  }
0x1d: {  	[sflag:s12] =	ssyncadd.s32 $0xFFFFEC00  }
0x1e: {  	[bflag:$0x0] =	sbarrier.arrive $0xFFFF  }
0x1f: {  	[tilespmem:s15], [sflag:$0x1] =	stream.indirect.gather [hbm4b:s4+s14], $0x80, s3, s14, $0xb8;
	[tilespmem:$0x1E800] =	vst v63  }
0x20: {  	_ = 	snop  }
0x21: {  	[tilespmem:s16], [sflag:$0x2] =	stream.indirect.gather [hbm4b:s4+s14], $0x80, s14, s14, $0xb8;
	[tilespmem:$0x1E800] =	vst v63  }
0x22: {  	_ =	swait.ge [sflag:s17], $0x4000  }
0x23: {  	[sflag:s17] =	ssyncset.done $0x0  }
0x24: {  	s22 =	simm.s32 $0x1400;
	[sflag:s17] =	ssyncadd.s32 $0xFFFFC000  }
0x25: {  	[spmem:s2] =	stream.indirect.scatter.add.f32 [tilespmem:s15], [sflag:$0x3], $0x80, s22, s14, $0xb8;
	[tilespmem:$0x1E800] =	vst v63  }
0x26: {  	_ =	swait.ge [sflag:s12], $0x4000  }
0x27: {  	[sflag:s12] =	ssyncset.done $0x0  }
0x28: {  	s30 =	simm.s32 $0x100;
	[sflag:s12] =	ssyncadd.s32 $0xFFFFC000  }
0x29: {  	[tilespmem:s15], [sflag:$0x1] =	stream.indirect.gather [hbm4b:s4+s14], $0x80, s30, s14, $0xb8;
	[tilespmem:$0x1E800] =	vst v63  }
0x2a: {  	_ =	swait.ge [sflag:s18], $0x4000  }
0x2b: {  	[sflag:s18] =	ssyncset.done $0x0  }
0x2c: {  	s31 =	simm.s32 $0x1480;
	[sflag:s18] =	ssyncadd.s32 $0xFFFFC000  }
0x2d: {  	[spmem:s2] =	stream.indirect.scatter.add.f32 [tilespmem:s16], [sflag:$0x3], $0x80, s31, s14, $0xb8;
	[tilespmem:$0x1E800] =	vst v63  }
0x2e: {  	_ =	swait.ge [sflag:s12], $0x4000  }
0x2f: {  	[sflag:s12] =	ssyncset.done $0x0  }
0x30: {  	s23 =	simm.s32 $0x180;
	s22 =	simm.s32 $0x400;
	[sflag:s12] =	ssyncadd.s32 $0xFFFFC000  }
.LBB2_2:
0x31: {  	[tilespmem:s16], [sflag:$0x2] =	stream.indirect.gather [hbm4b:s4+s14], $0x80, s23, s14, $0xb8;
	[tilespmem:$0x1E800] =	vst v63  }
0x32: {  	s23 =	smov.u32 s22  }
0x33: {  	p0 =	sne.s32 s22, $0x4800;
	s22 =	sadd.s32 $0x400, s22;
	_ =	swait.ge [sflag:s17], $0x4000  }
0x34: {  	s23 =	sshra.s32 s23, $0x2;
	[sflag:s17] =	ssyncset.done $0x0  }
0x35: {  	s24 =	sadd.s32 $0x1400, s23;
	[sflag:s17] =	ssyncadd.s32 $0xFFFFC000  }
0x36: {  	[spmem:s2] =	stream.indirect.scatter.add.f32 [tilespmem:s15], [sflag:$0x3], $0x80, s24, s14, $0xb8;
	[tilespmem:$0x1E800] =	vst v63  }
0x37: {  	_ =	swait.ge [sflag:s12], $0x4000  }
0x38: {  	[sflag:s12] =	ssyncset.done $0x0  }
0x39: {  	s24 =	sadd.s32 $0x100, s23;
	[sflag:s12] =	ssyncadd.s32 $0xFFFFC000  }
0x3a: {  	[tilespmem:s15], [sflag:$0x1] =	stream.indirect.gather [hbm4b:s4+s14], $0x80, s24, s14, $0xb8;
	[tilespmem:$0x1E800] =	vst v63  }
0x3b: {  	_ =	swait.ge [sflag:s18], $0x4000  }
0x3c: {  	[sflag:s18] =	ssyncset.done $0x0  }
.Ltmp0:
0x3d: {  	s24 =	sadd.s32 $0x1480, s23;
	[sflag:s18] =	ssyncadd.s32 $0xFFFFC000;
	(pc) =	sbr.rel @p0 .LBB2_2-.Ltmp0, $4  }
0x3e: {  	[spmem:s2] =	stream.indirect.scatter.add.f32 [tilespmem:s16], [sflag:$0x3], $0x80, s24, s14, $0xb8;
	[tilespmem:$0x1E800] =	vst v63  }
0x3f: {  	_ =	swait.ge [sflag:s12], $0x4000  }
0x40: {  	[sflag:s12] =	ssyncset.done $0x0  }
0x41: {  	s23 =	sadd.s32 $0x180, s23;
	[sflag:s12] =	ssyncadd.s32 $0xFFFFC000  }
0x42: {  	[tilespmem:s16], [sflag:$0x2] =	stream.indirect.gather [hbm4b:s4+s14], $0x80, s23, s14, $0xb8;
	[tilespmem:$0x1E800] =	vst v63  }
0x43: {  	_ =	swait.ge [sflag:s17], $0x4000  }
0x44: {  	[sflag:s17] =	ssyncset.done $0x0  }
0x45: {  	[sflag:s17] =	ssyncadd.s32 $0xFFFFC000  }
0x46: {  	[spmem:s2] =	stream.indirect.scatter.add.f32 [tilespmem:s15], [sflag:$0x3], $0x80, s19, s14, $0xb8;
	[tilespmem:$0x1E800] =	vst v63  }
0x47: {  	_ =	swait.ge [sflag:s12], $0x4000  }
0x48: {  	[sflag:s12] =	ssyncset.done $0x0  }
0x49: {  	[sflag:s12] =	ssyncadd.s32 $0xFFFFC000  }
0x4a: {  	_ =	swait.ge [sflag:s18], $0x4000  }
0x4b: {  	[sflag:s18] =	ssyncset.done $0x0  }
0x4c: {  	[sflag:s18] =	ssyncadd.s32 $0xFFFFC000  }
0x4d: {  	[spmem:s2] =	stream.indirect.scatter.add.f32 [tilespmem:s16], [sflag:$0x3], $0x80, s20, s14, $0xb8;
	[tilespmem:$0x1E800] =	vst v63  }
0x4e: {  	_ =	swait.ge [sflag:s12], $0x4000  }
0x4f: {  	s21 =	sadd.s32 $0x1, s21;
	[sflag:s12] =	ssyncset.done $0x0  }
0x50: {  	p0 =	sne.s32 s21, s10;
	[sflag:s12] =	ssyncadd.s32 $0xFFFFC000  }
.Ltmp1:
0x51: {  	[bflag:$0x0] =	sbarrier.arrive $0xFFFF;
	(pc) =	sbr.rel @p0 .LBB2_1-.Ltmp1, $4  }
0x52: {  	[hbm:s9], [sflag:s6] =	dma.local [spmem:s11], $0x2800  }
0x53: {  	_ =	swait.ge [sflag:s12], $0x2800  }
0x54: {  	[sflag:s12] =	ssyncset.done $0x0  }
0x55: {  	[sflag:s12] =	ssyncadd.s32 $0xFFFFD800  }
0x56: {  	_ =	sfence.sel $0x180000  }
0x57: {  	[bflag:$0x0] =	sbarrier.arrive $0xFFFF  }
0x58: {  	p0 =	sne.s32 s0, $0x0;
	_ =	strace $0x9000004A  }
0x59: {  	s0 =	sadd.s32 @!p0 $0x100000, s1;
	[bflag:$0x2] =	sbarrier.arrive $0xFFFF  }
0x5a: {  	[sflag:s0] =	ssyncadd.tile.s32 @!p0 $0x1;
	_ =	shalt  }
.Lfunc_end2:
_tile_overlayer_lowered:
.L_overlay_start_2:
0x5b: {  	(tag) =	ssettag $0x2  }
0x5c: {  	s0 =	rddreg [dreg:$0x0];
	s2 =	stileid.u32  }
0x5d: {  	s1 =	rddreg [dreg:$0x1];
	p0 =	sne.s32 s2, $0x0  }
0x5e: {  	s3 =	rddreg [dreg:$0x2];
	[bflag:$0x3] =	sbarrier.arrive $0xFFFF;
	s2 =	simm.s32 @!p0 $0x1C03  }
0x5f: {  	[timem:s3], [sflag:s2] =	dma.local @!p0 [hbm:s0], s1  }
0x60: {  	s0 =	simm.s32 @!p0 $0x3  }
0x61: {  	_ =	swait.ge @!p0 [sflag:s0], s1  }
0x62: {  	s1 =	ssub.s32 @!p0 $0x0, s1;
	[sflag:s0] =	ssyncset.done @!p0 $0x0  }
0x63: {  	[sflag:s0] =	ssyncadd.s32 @!p0 s1  }
0x64: {  	[bflag:$0x3] =	sbarrier.arrive $0xFFFF  }
0x65: {  	_ =	shalt  }

// kernel: kernel.7.cloned.1.call-start
scs
__scs_entry_jumppad:
0x0: {  	(pc) =	sbr.rel $0x88, $3  }
0x1: {  	(tag) =	ssettag $0x0;
	lr =	simm.s32 $0x1  }
0x2: {  	[smem:$0x3F9B] =	sst lr;
	_ =	strace $0xD0000000  }
0x3: {  	_ = 	snop  }
0x4: {  	_ = 	snop  }
0x5: {  	_ = 	snop  }
0x6: {  	_ = 	snop  }
0x7: {  	_ = 	snop  }
__scs_overlays_trampoline_lowered:
0x8: {  	[smem:$0x3FAA] =	sst s0  }
0x9: {  	[smem:$0x3FAB] =	sst s1  }
0xa: {  	[smem:$0x3FAC] =	sst s2  }
0xb: {  	[smem:$0x3FAD] =	sst s3  }
0xc: {  	[smem:$0x3FAE] =	sst s4  }
0xd: {  	[smem:$0x3FAF] =	sst s5  }
0xe: {  	[smem:$0x3FB0] =	sst s6  }
0xf: {  	[smem:$0x3FB1] =	sst s7  }
0x10: {  	[smem:$0x3FB2] =	sst s8  }
0x11: {  	[smem:$0x3FB3] =	sst s9;
	s0 =	simm.s32 @!p0 $0x0  }
0x12: {  	s1 =	sld [smem:$0x3F99];
	s0 =	simm.s32 @p0 $0x1  }
0x13: {  	[smem:$0x3FB4] =	sst s0;
	s0 =	simm.s32 @!p1 $0x0  }
0x14: {  	s2 =	sld [smem:$0x3F98];
	s0 =	simm.s32 @p1 $0x1  }
0x15: {  	[smem:$0x3FB5] =	sst s0;
	s0 =	simm.s32 @!p2 $0x0  }
0x16: {  	s3 =	sld [smem:$0x3FDB];
	s0 =	simm.s32 @p2 $0x1  }
0x17: {  	s4 =	simm.s32 $0x1BF5;
	[smem:$0x3FB7] =	sst s0  }
0x18: {  	s0 =	sld [smem:$0x3F9A];
	_ =	swait.ge [sflag:s4], $0x0  }
0x19: {  	s7 =	sld [smem:$0x3F9B]  }
0x1a: {  	s8 =	sadd.s32 $0xFFFFE003, lr  }
0x1b: {  	s9 =	sadd.s32 $0xFFFFFEF7, lr;
	s5 =	simm.s32 $0xFFFFFFFF;
	p2 =	slt.u32 s8, $0xFFFFF086  }
0x1c: {  	p1 =	slt.u32 s9, $0xF7A;
	s5 =	simm.s32 @!p2 $0x0  }
0x1d: {  	s5 =	simm.s32 @p1 $0x1;
	p0 =	seq.s32 s7, s2  }
0x1e: {  	s7 =	smul.u32 @!p0 $0xF7A, s2;
	p2 =	seq.s32 @!p0 s5, $0x0  }
0x1f: {  	s9 =	smul.u32 $0xF7A, s1;
	s8 =	simm.s32 @!p0 $0x1BF5;
	p2 =	por !p2, p0  }
0x20: {  	[sflag:s8] =	ssyncset.s32 @!p0 $0xFFFFF086;
	s6 =	sadd.s32 @!p0 s3, s7;
	s7 =	simm.s32 @!p0 $0x108  }
0x21: {  	s3 =	sadd.s32 s3, s9;
	s6 =	sadd.s32 @!p0 $0x88, s6;
	s7 =	simm.s32 @p2 $0x1082  }
0x22: {  	[simem:s7], [sflag:s8] =	dma.local @!p0 [hbm:s6], $0xF7A  }
0x23: {  	s9 =	sor.u32 $0xD0000000, s2;
	s6 =	simm.s32 $0x108;
	_ =	swait.ge @!p0 [sflag:s8], $0x0  }
0x24: {  	s3 =	sadd.s32 $0x88, s3;
	s6 =	simm.s32 @!p1 $0x1082;
	[sflag:s4] =	ssyncset.s32 $0xFFFFF086  }
0x25: {  	[simem:s6], [sflag:s4] =	dma.local [hbm:s3], $0xF7A  }
0x26: {  	[smem:$0x3F9B] =	sst s1;
	(tag) =	ssettag s2;
	_ =	strace s9  }
0x27: {  	s1 =	sld [smem:$0x3FAB]  }
0x28: {  	s2 =	sld [smem:$0x3FAC]  }
0x29: {  	s4 =	sld [smem:$0x3FAE]  }
0x2a: {  	p0 =	seq.s32 s5, $0x0;
	s5 =	sld [smem:$0x3FAF]  }
0x2b: {  	s6 =	sld [smem:$0x3FB0]  }
0x2c: {  	s7 =	sld [smem:$0x3FB1]  }
0x2d: {  	s3 =	simm.s32 $0x108;
	s8 =	sld [smem:$0x3FB2]  }
0x2e: {  	s3 =	simm.s32 @!p0 $0x1082;
	s9 =	sld [smem:$0x3FB3]  }
0x2f: {  	lr =	sadd.s32 s0, s3;
	s0 =	sld [smem:$0x3FAA]  }
0x30: {  	s3 =	sld [smem:$0x3FAD]  }
0x31: {  	[smem:$0x3FB6] =	sst s10  }
0x32: {  	s10 =	sld [smem:$0x3FB4];
	_ =	sdelay $0x3  }
0x33: {  	p0 =	seq.s32 s10, $0x1;
	s10 =	sld [smem:$0x3FB6];
	_ =	sdelay $0x3  }
0x34: {  	[smem:$0x3FB6] =	sst s10  }
0x35: {  	s10 =	sld [smem:$0x3FB5];
	_ =	sdelay $0x3  }
0x36: {  	p1 =	seq.s32 s10, $0x1;
	s10 =	sld [smem:$0x3FB6];
	_ =	sdelay $0x3  }
0x37: {  	[smem:$0x3FB6] =	sst s10  }
0x38: {  	s10 =	sld [smem:$0x3FB7]  }
0x39: {  	_ = 	snop;
	(pc) =	sbr.ind lr, $3  }
0x3a: {  	_ = 	snop  }
0x3b: {  	_ = 	snop  }
0x3c: {  	p2 =	seq.s32 s10, $0x1;
	s10 =	sld [smem:$0x3FB6]  }
0x3d: {  	_ =	shalt  }
0x3e: {  	_ =	shalt  }
0x3f: {  	_ =	shalt  }
0x40: {  	_ =	shalt  }
0x41: {  	_ =	shalt  }
0x42: {  	_ =	shalt  }
0x43: {  	_ =	shalt  }
0x44: {  	_ =	shalt  }
0x45: {  	_ =	shalt  }
0x46: {  	_ =	shalt  }
0x47: {  	_ =	shalt  }
0x48: {  	_ =	shalt  }
0x49: {  	_ =	shalt  }
0x4a: {  	_ =	shalt  }
0x4b: {  	_ =	shalt  }
0x4c: {  	_ =	shalt  }
0x4d: {  	_ =	shalt  }
0x4e: {  	_ =	shalt  }
0x4f: {  	_ =	shalt  }
0x50: {  	_ =	shalt  }
0x51: {  	_ =	shalt  }
0x52: {  	_ =	shalt  }
0x53: {  	_ =	shalt  }
0x54: {  	_ =	shalt  }
0x55: {  	_ =	shalt  }
0x56: {  	_ =	shalt  }
0x57: {  	_ =	shalt  }
0x58: {  	_ =	shalt  }
0x59: {  	_ =	shalt  }
0x5a: {  	_ =	shalt  }
0x5b: {  	_ =	shalt  }
0x5c: {  	_ =	shalt  }
0x5d: {  	_ =	shalt  }
0x5e: {  	_ =	shalt  }
0x5f: {  	_ =	shalt  }
0x60: {  	_ =	shalt  }
0x61: {  	_ =	shalt  }
0x62: {  	_ =	shalt  }
0x63: {  	_ =	shalt  }
0x64: {  	_ =	shalt  }
0x65: {  	_ =	shalt  }
0x66: {  	_ =	shalt  }
0x67: {  	_ =	shalt  }
0x68: {  	_ =	shalt  }
0x69: {  	_ =	shalt  }
0x6a: {  	_ =	shalt  }
0x6b: {  	_ =	shalt  }
0x6c: {  	_ =	shalt  }
0x6d: {  	_ =	shalt  }
0x6e: {  	_ =	shalt  }
0x6f: {  	_ =	shalt  }
0x70: {  	_ =	shalt  }
0x71: {  	_ =	shalt  }
0x72: {  	_ =	shalt  }
0x73: {  	_ =	shalt  }
0x74: {  	_ =	shalt  }
0x75: {  	_ =	shalt  }
0x76: {  	_ =	shalt  }
0x77: {  	_ =	shalt  }
0x78: {  	_ =	shalt  }
0x79: {  	_ =	shalt  }
0x7a: {  	_ =	shalt  }
0x7b: {  	_ =	shalt  }
0x7c: {  	_ =	shalt  }
0x7d: {  	_ =	shalt  }
0x7e: {  	_ =	shalt  }
0x7f: {  	_ =	shalt  }
0x80: {  	_ =	shalt  }
0x81: {  	_ =	shalt  }
0x82: {  	_ =	shalt  }
0x83: {  	_ =	shalt  }
0x84: {  	_ =	shalt  }
0x85: {  	_ =	shalt  }
0x86: {  	_ =	shalt  }
0x87: {  	_ =	shalt  }
.Lfunc_end0:
.L_simem_size_0:
called_computation_lowered:
.L_overlay_start_0:
0x88: {  	s2 =	sld [smem:$0x3FD9]  }
0x89: {  	s3 =	sld [smem:$0x3FFE];
	_ =	sdelay $0x1  }
0x8a: {  	s1 =	srdreg.scid  }
0x8b: {  	s0 =	sand.u32 $0x1, s1  }
0x8c: {  	s17 =	sshll.u32 s0, $0xA;
	s2 =	sadd.s32 s3, s2  }
0x8d: {  	s2 =	sadd.s32 s2, s17  }
0x8e: {  	[smem:$0x3FC2] =	sst s2  }
0x8f: {  	_ = 	snop  }
0x90: {  	s2 =	sld [smem:$0x3FD0];
	(tm) =	ssettm $0x1  }
0x91: {  	s18 =	sld [smem:$0x3FFB];
	_ =	sdelay $0x3  }
0x92: {  	_ =	strace s18  }
0x93: {  	s3 =	sld [smem:$0x3FFC];
	_ =	sdelay $0x3  }
0x94: {  	_ =	strace s3  }
0x95: {  	s3 =	sld [smem:$0x3FFD];
	_ =	sdelay $0x3  }
0x96: {  	_ =	strace s3  }
0x97: {  	_ =	strace $0x8FFFFFFF  }
0x98: {  	s19 =	sld [smem:$0x3FDB];
	_ =	sdelay $0x1  }
0x99: {  	s4 =	simm.s32 $_scs_section_size  }
0x9a: {  	s5 =	simm.s32 $_size__tile_overlayer_lowered;
	s6 =	simm.s32 $_tile_overlayer_lowered  }
0x9b: {  	s22 =	simm.s32 $0x1BFF;
	s21 =	sshll.u32 s6, $0x1;
	s3 =	sadd.s32 s4, s19  }
0x9c: {  	s7 =	simm.s32 $0x0;
	s20 =	sshll.u32 s5, $0x1;
	s5 =	sadd.s32 s21, s3  }
0x9d: {  	[timem:s7], [sflag:s22] =	dma.local [hbm:s5], s20  }
0x9e: {  	_ =	swait.ge [sflag:s22], s20  }
0x9f: {  	s4 =	ssub.s32 $0x0, s20;
	[sflag:s22] =	ssyncset.done $0x0  }
0xa0: {  	[sflag:s22] =	ssyncadd.s32 s4;
	_ =	sdelay $0x1  }
0xa1: {  	s23 =	simm.s32 $0x1B8B  }
0xa2: {  	_ =	swait.ge [sflag:s23], $0x1  }
0xa3: {  	[sflag:s23] =	ssyncset.done $0x0  }
0xa4: {  	s25 =	simm.s32 $0x1B8E;
	s24 =	sld [smem:$0x3FFE];
	[sflag:s23] =	ssyncadd.s32 $0xFFFFFFFF  }
0xa5: {  	s26 =	simm.s32 $execute0_lowered;
	[smem:$0x3FD2] =	sst s25  }
0xa6: {  	s5 =	sshll.u32 s26, $0x1;
	_ =	strace $0x80000046;
	[dreg:$0x1] =	wrdreg $0xFFFFFFFF  }
0xa7: {  	s28 =	simm.s32 $_size_execute0_lowered;
	s3 =	sadd.s32 s3, s5;
	[dreg:$0x0] =	wrdreg $0x0  }
0xa8: {  	s5 =	sshll.u32 s28, $0x1;
	[dreg:$0x2] =	wrdreg s3  }
0xa9: {  	[dreg:$0x3] =	wrdreg s5  }
0xaa: {  	[dreg:$0x4] =	wrdreg $0xC0  }
0xab: {  	_ =	task [dreg:s7], $0x5FFFF  }
0xac: {  	[dreg:$0x1] =	wrdreg $0xFFFFFFFF  }
0xad: {  	[dreg:$0x0] =	wrdreg $0x60  }
0xae: {  	[dreg:$0x2] =	wrdreg s24  }
0xaf: {  	[dreg:$0x3] =	wrdreg s2  }
0xb0: {  	[dreg:$0x4] =	wrdreg $0xA8000  }
0xb1: {  	[dreg:$0x5] =	wrdreg $0x9  }
0xb2: {  	_ =	task.clear_ibuf [dreg:s7], $0x6FFFF;
	_ =	strace $0x90000046  }
0xb3: {  	s29 =	simm.s32 $0x9;
	_ =	strace $0x80000048  }
0xb4: {  	_ =	swait.ge [sflag:s29], $0x1  }
0xb5: {  	[sflag:s29] =	ssyncadd.s32 $0xFFFFFFFF  }
0xb6: {  	_ =	strace $0x90000048  }
0xb7: {  	_ =	sfence  }
0xb8: {  	s30 =	sld [smem:$0x0];
	_ =	sdelay $0x2  }
0xb9: {  	s31 =	sshll.u32 s1, $0xD;
	s1 =	sshrl.u32 s1, $0x2  }
0xba: {  	s3 =	sand.u32 $0x4000, s31;
	s1 =	sadd.s32 s1, s30  }
0xbb: {  	s0 =	sor.u32 s3, s0;
	s1 =	sshll.u32 s1, $0x11  }
0xbc: {  	s0 =	sor.u32 s1, s0  }
0xbd: {  	s0 =	sadd.s32 $0x8F2B, s0  }
0xbe: {  	[sflag:s0] =	ssyncadd.remote.s32 $0x1  }
0xbf: {  	_ =	sfence.sel $0xFFFF  }
0xc0: {  	[dreg:$0x0] =	wrdreg $0xFFFFFFFF;
	(pc) =	sbr.abs _section_cstart, $3  }
0xc1: {  	[dreg:$0x1] =	wrdreg $0xFFFFFFFF  }
0xc2: {  	_ =	task.clear_ibuf [dreg:s7], $0x2FFFF;
	_ =	strace $0x9FFFFFFF  }
0xc3: {  	(tm) =	ssettm $0x7FFFFFFF  }
tec
execute0_lowered:
.L_overlay_start_1:
0x0: {  	(tag) =	ssettag $0x1  }
0x1: {  	s5 =	rddreg [dreg:$0x0]  }
0x2: {  	s7 =	rddreg [dreg:$0x1]  }
0x3: {  	s2 =	rddreg [dreg:$0x2]  }
0x4: {  	s0 =	srdreg.scid;
	s1 =	rddreg [dreg:$0x3];
	s3 =	simm.s32 $0x0  }
0x5: {  	s14 =	simm.s32 $0x80;
	s15 =	simm.s32 $0x2800;
	s6 =	sand.u32 $0x1, s0  }
0x6: {  	s16 =	simm.s32 $0x6800;
	s0 =	stileid.u32;
	s4 =	smul.u32 $0x14000, s6  }
0x7: {  	s17 =	simm.s32 $0x1;
	s18 =	simm.s32 $0x2;
	s8 =	smul.u32 $0x1400, s0  }
0x8: {  	s19 =	simm.s32 $0x2700;
	s20 =	simm.s32 $0x2780;
	s9 =	smul.u32 $0x140000, s6  }
0x9: {  	s21 =	simm.s32 $0x0;
	[smem:$0x7FF] =	sst s3;
	s10 =	smul.u32 $0x14000, s0  }
0xa: {  	_ =	strace $0x80000047;
	s6 =	ssub.s32 $0x2, s6;
	s28 =	smul.u32 $0x50000, s0  }
0xb: {  	s31 =	sshll.u32 s0, $0x6;
	s29 =	sshrl.u32 s6, $0x1;
	s8 =	sadd.s32 s8, s4  }
0xc: {  	s4 =	sadd.s32 $0x56400, s5;
	s9 =	sadd.s32 s10, s9;
	s12 =	ssub.s32 s6, s29  }
0xd: {  	s30 =	sshrl.u32 s28, $0x2;
	s6 =	sor.u32 $0x1C03, s31;
	s8 =	sshrl.u32 s8, $0x3  }
0xe: {  	s9 =	sshrl.u32 s9, $0x3;
	s13 =	sadd.s32 s30, s2;
	s10 =	smax.u32 s12, $0x1  }
0xf: {  	s12 =	simm.s32 $0x3;
	s11 =	sadd.s32 s8, s5;
	s9 =	sadd.s32 s9, s5  }
0x10: {  	s7 =	sadd.s32 s7, s8;
	s5 =	sadd.s32 $0x1400, s9;
	s8 =	sadd.s32 $0x51400, s11  }
0x11: {  	s9 =	sadd.s32 $0x7E400, s9;
	s11 =	sshrl.u32 s13, $0x3;
	s13 =	simm.s32 $0x1400  }
.LBB2_1:
0x12: {  	[spmem:s11], [sflag:s6] =	dma.local [hbm:s5], $0x2800  }
0x13: {  	_ =	swait.ge [sflag:s12], $0x2800  }
0x14: {  	[sflag:s12] =	ssyncset.done $0x0  }
0x15: {  	[sflag:s12] =	ssyncadd.s32 $0xFFFFD800  }
0x16: {  	[tilespmem:s3], [sflag:$0x3] =	stream.linear.gather [hbm4b:s7+s3], $0x1400, $0x38;
	[tilespmem:$0x1E800] =	vst v63  }
0x17: {  	_ =	swait.ge [sflag:s12], $0x1400  }
0x18: {  	[sflag:s12] =	ssyncset.done $0x0  }
0x19: {  	[sflag:s12] =	ssyncadd.s32 $0xFFFFEC00  }
0x1a: {  	[tilespmem:s13], [sflag:$0x3] =	stream.linear.gather [hbm4b:s8+s3], $0x1400, $0x38;
	[tilespmem:$0x1E800] =	vst v63  }
0x1b: {  	_ =	swait.ge [sflag:s12], $0x1400  }
0x1c: {  	[sflag:s12] =	ssyncset.done $0x0  }
0x1d: {  	[sflag:s12] =	ssyncadd.s32 $0xFFFFEC00  }
0x1e: {  	[bflag:$0x0] =	sbarrier.arrive $0xFFFF  }
0x1f: {  	[tilespmem:s15], [sflag:$0x1] =	stream.indirect.gather [hbm4b:s4+s14], $0x80, s3, s14, $0xb8;
	[tilespmem:$0x1E800] =	vst v63  }
0x20: {  	_ = 	snop  }
0x21: {  	[tilespmem:s16], [sflag:$0x2] =	stream.indirect.gather [hbm4b:s4+s14], $0x80, s14, s14, $0xb8;
	[tilespmem:$0x1E800] =	vst v63  }
0x22: {  	_ =	swait.ge [sflag:s17], $0x4000  }
0x23: {  	[sflag:s17] =	ssyncset.done $0x0  }
0x24: {  	s22 =	simm.s32 $0x1400;
	[sflag:s17] =	ssyncadd.s32 $0xFFFFC000  }
0x25: {  	[spmem:s2] =	stream.indirect.scatter.add.f32 [tilespmem:s15], [sflag:$0x3], $0x80, s22, s14, $0xb8;
	[tilespmem:$0x1E800] =	vst v63  }
0x26: {  	_ =	swait.ge [sflag:s12], $0x4000  }
0x27: {  	[sflag:s12] =	ssyncset.done $0x0  }
0x28: {  	s30 =	simm.s32 $0x100;
	[sflag:s12] =	ssyncadd.s32 $0xFFFFC000  }
0x29: {  	[tilespmem:s15], [sflag:$0x1] =	stream.indirect.gather [hbm4b:s4+s14], $0x80, s30, s14, $0xb8;
	[tilespmem:$0x1E800] =	vst v63  }
0x2a: {  	_ =	swait.ge [sflag:s18], $0x4000  }
0x2b: {  	[sflag:s18] =	ssyncset.done $0x0  }
0x2c: {  	s31 =	simm.s32 $0x1480;
	[sflag:s18] =	ssyncadd.s32 $0xFFFFC000  }
0x2d: {  	[spmem:s2] =	stream.indirect.scatter.add.f32 [tilespmem:s16], [sflag:$0x3], $0x80, s31, s14, $0xb8;
	[tilespmem:$0x1E800] =	vst v63  }
0x2e: {  	_ =	swait.ge [sflag:s12], $0x4000  }
0x2f: {  	[sflag:s12] =	ssyncset.done $0x0  }
0x30: {  	s23 =	simm.s32 $0x180;
	s22 =	simm.s32 $0x400;
	[sflag:s12] =	ssyncadd.s32 $0xFFFFC000  }
.LBB2_2:
0x31: {  	[tilespmem:s16], [sflag:$0x2] =	stream.indirect.gather [hbm4b:s4+s14], $0x80, s23, s14, $0xb8;
	[tilespmem:$0x1E800] =	vst v63  }
0x32: {  	s23 =	smov.u32 s22  }
0x33: {  	p0 =	sne.s32 s22, $0x4800;
	s22 =	sadd.s32 $0x400, s22;
	_ =	swait.ge [sflag:s17], $0x4000  }
0x34: {  	s23 =	sshra.s32 s23, $0x2;
	[sflag:s17] =	ssyncset.done $0x0  }
0x35: {  	s24 =	sadd.s32 $0x1400, s23;
	[sflag:s17] =	ssyncadd.s32 $0xFFFFC000  }
0x36: {  	[spmem:s2] =	stream.indirect.scatter.add.f32 [tilespmem:s15], [sflag:$0x3], $0x80, s24, s14, $0xb8;
	[tilespmem:$0x1E800] =	vst v63  }
0x37: {  	_ =	swait.ge [sflag:s12], $0x4000  }
0x38: {  	[sflag:s12] =	ssyncset.done $0x0  }
0x39: {  	s24 =	sadd.s32 $0x100, s23;
	[sflag:s12] =	ssyncadd.s32 $0xFFFFC000  }
0x3a: {  	[tilespmem:s15], [sflag:$0x1] =	stream.indirect.gather [hbm4b:s4+s14], $0x80, s24, s14, $0xb8;
	[tilespmem:$0x1E800] =	vst v63  }
0x3b: {  	_ =	swait.ge [sflag:s18], $0x4000  }
0x3c: {  	[sflag:s18] =	ssyncset.done $0x0  }
.Ltmp0:
0x3d: {  	s24 =	sadd.s32 $0x1480, s23;
	[sflag:s18] =	ssyncadd.s32 $0xFFFFC000;
	(pc) =	sbr.rel @p0 .LBB2_2-.Ltmp0, $4  }
0x3e: {  	[spmem:s2] =	stream.indirect.scatter.add.f32 [tilespmem:s16], [sflag:$0x3], $0x80, s24, s14, $0xb8;
	[tilespmem:$0x1E800] =	vst v63  }
0x3f: {  	_ =	swait.ge [sflag:s12], $0x4000  }
0x40: {  	[sflag:s12] =	ssyncset.done $0x0  }
0x41: {  	s23 =	sadd.s32 $0x180, s23;
	[sflag:s12] =	ssyncadd.s32 $0xFFFFC000  }
0x42: {  	[tilespmem:s16], [sflag:$0x2] =	stream.indirect.gather [hbm4b:s4+s14], $0x80, s23, s14, $0xb8;
	[tilespmem:$0x1E800] =	vst v63  }
0x43: {  	_ =	swait.ge [sflag:s17], $0x4000  }
0x44: {  	[sflag:s17] =	ssyncset.done $0x0  }
0x45: {  	[sflag:s17] =	ssyncadd.s32 $0xFFFFC000  }
0x46: {  	[spmem:s2] =	stream.indirect.scatter.add.f32 [tilespmem:s15], [sflag:$0x3], $0x80, s19, s14, $0xb8;
	[tilespmem:$0x1E800] =	vst v63  }
0x47: {  	_ =	swait.ge [sflag:s12], $0x4000  }
0x48: {  	[sflag:s12] =	ssyncset.done $0x0  }
0x49: {  	[sflag:s12] =	ssyncadd.s32 $0xFFFFC000  }
0x4a: {  	_ =	swait.ge [sflag:s18], $0x4000  }
0x4b: {  	[sflag:s18] =	ssyncset.done $0x0  }
0x4c: {  	[sflag:s18] =	ssyncadd.s32 $0xFFFFC000  }
0x4d: {  	[spmem:s2] =	stream.indirect.scatter.add.f32 [tilespmem:s16], [sflag:$0x3], $0x80, s20, s14, $0xb8;
	[tilespmem:$0x1E800] =	vst v63  }
0x4e: {  	_ =	swait.ge [sflag:s12], $0x4000  }
0x4f: {  	s21 =	sadd.s32 $0x1, s21;
	[sflag:s12] =	ssyncset.done $0x0  }
0x50: {  	p0 =	sne.s32 s21, s10;
	[sflag:s12] =	ssyncadd.s32 $0xFFFFC000  }
.Ltmp1:
0x51: {  	[bflag:$0x0] =	sbarrier.arrive $0xFFFF;
	(pc) =	sbr.rel @p0 .LBB2_1-.Ltmp1, $4  }
0x52: {  	[hbm:s9], [sflag:s6] =	dma.local [spmem:s11], $0x2800  }
0x53: {  	_ =	swait.ge [sflag:s12], $0x2800  }
0x54: {  	[sflag:s12] =	ssyncset.done $0x0  }
0x55: {  	[sflag:s12] =	ssyncadd.s32 $0xFFFFD800  }
0x56: {  	_ =	sfence.sel $0x180000  }
0x57: {  	[bflag:$0x0] =	sbarrier.arrive $0xFFFF  }
0x58: {  	p0 =	sne.s32 s0, $0x0;
	_ =	strace $0x90000047  }
0x59: {  	s0 =	sadd.s32 @!p0 $0x100000, s1;
	[bflag:$0x2] =	sbarrier.arrive $0xFFFF  }
0x5a: {  	[sflag:s0] =	ssyncadd.tile.s32 @!p0 $0x1;
	_ =	shalt  }
.Lfunc_end2:
_tile_overlayer_lowered:
.L_overlay_start_2:
0x5b: {  	(tag) =	ssettag $0x2  }
0x5c: {  	s0 =	rddreg [dreg:$0x0];
	s2 =	stileid.u32  }
0x5d: {  	s1 =	rddreg [dreg:$0x1];
	p0 =	sne.s32 s2, $0x0  }
0x5e: {  	s3 =	rddreg [dreg:$0x2];
	[bflag:$0x3] =	sbarrier.arrive $0xFFFF;
	s2 =	simm.s32 @!p0 $0x1C03  }
0x5f: {  	[timem:s3], [sflag:s2] =	dma.local @!p0 [hbm:s0], s1  }
0x60: {  	s0 =	simm.s32 @!p0 $0x3  }
0x61: {  	_ =	swait.ge @!p0 [sflag:s0], s1  }
0x62: {  	s1 =	ssub.s32 @!p0 $0x0, s1;
	[sflag:s0] =	ssyncset.done @!p0 $0x0  }
0x63: {  	[sflag:s0] =	ssyncadd.s32 @!p0 s1  }
0x64: {  	[bflag:$0x3] =	sbarrier.arrive $0xFFFF  }
0x65: {  	_ =	shalt  }

</sc_bundles>
